<compile_context>
chip_gen: v7x
topology: tpu7x:2x2x1
jax: 0.10.2.dev20260603
libtpu: 0.0.44.dev20260713+nightly
codegen_flags: <defaults>
</compile_context>

<pallas_src>
import functools

import jax
import jax.numpy as jnp
from jax import lax
from jax.experimental import pallas as pl
from jax.experimental.pallas import tpu as pltpu
from jax.experimental.pallas import tpu_sc as plsc

_D = 128
_T = 4
_B, _N = 8, 64
_NEG = 0.2
_LANES = 16
_NC, _NS = 2, 16
_ROWS = (_B * _N) // (_NC * _NS)
_TPB = _N // _ROWS


def _tc_proj_body(src_ref, dst_ref, a_ref, ys_ref, yd_ref):
    dn = (((1,), (1,)), ((), ()))
    a8 = a_ref[...]
    ys_ref[...] = lax.dot_general(src_ref[...], a8, dn,
                                  preferred_element_type=jnp.float32)
    yd_ref[...] = lax.dot_general(dst_ref[...], a8, dn,
                                  preferred_element_type=jnp.float32)


def _tc_proj(src2, dst2, a8):
    r = src2.shape[0]
    return pl.pallas_call(
        _tc_proj_body,
        out_shape=(
            jax.ShapeDtypeStruct((r, 2 * _T), jnp.float32),
            jax.ShapeDtypeStruct((r, 2 * _T), jnp.float32),
        ),
    )(src2, dst2, a8)


def _sc_gather_body(ys_hbm, yd_hbm, edges_hbm, out_hbm,
                    sp_v, dp_v, e_v, o_v, sem1, sem2, sem3):
    c = lax.axis_index("c")
    s = lax.axis_index("s")
    b = c * (_NS // _TPB) + s // _TPB
    i0 = (s % _TPB) * _ROWS

    cp1 = pltpu.async_copy(ys_hbm.at[pl.ds(b * _N + i0, _ROWS), :], sp_v, sem1)
    cp2 = pltpu.async_copy(yd_hbm.at[pl.ds(b * _N, _N), :], dp_v, sem2)
    cp3 = pltpu.async_copy(edges_hbm.at[b, pl.ds(i0, _ROWS), :], e_v, sem3)
    cp1.wait()
    cp2.wait()
    cp3.wait()

    lane = lax.iota(jnp.int32, _LANES)
    for i in range(_ROWS):
        i_splat = jnp.full((_LANES,), i, jnp.int32)
        for cch in range(_N // _LANES):
            e = e_v[i, pl.ds(cch * _LANES, _LANES)]
            e2 = e + e
            dpg = plsc.load_gather(dp_v, [lane + cch * _LANES, e2 + 1])
            spg = plsc.load_gather(sp_v, [i_splat, e2])
            sv = spg + dpg
            o_v[i, pl.ds(cch * _LANES, _LANES)] = jnp.where(
                sv >= 0.0, sv, _NEG * sv)

    pltpu.sync_copy(o_v, out_hbm.at[b, pl.ds(i0, _ROWS), :])


@functools.cache
def _sc_gather():
    return functools.partial(
        pl.kernel,
        out_type=jax.ShapeDtypeStruct((_B, _N, _N), jnp.float32),
        mesh=plsc.VectorSubcoreMesh(core_axis_name="c", subcore_axis_name="s",
                                    num_cores=_NC, num_subcores=_NS),
        compiler_params=pltpu.CompilerParams(needs_layout_passes=False),
        scratch_types=[
            pltpu.VMEM((_ROWS, 2 * _T), jnp.float32),
            pltpu.VMEM((_N, 2 * _T), jnp.float32),
            pltpu.VMEM((_ROWS, _N), jnp.int32),
            pltpu.VMEM((_ROWS, _N), jnp.float32),
            pltpu.SemaphoreType.DMA,
            pltpu.SemaphoreType.DMA,
            pltpu.SemaphoreType.DMA,
        ],
    )(_sc_gather_body)


def kernel(src_embeddings, dst_embeddings, edges, a):
    b, n, d = src_embeddings.shape
    ys, yd = _tc_proj(src_embeddings.reshape(b * n, d),
                      dst_embeddings.reshape(b * n, d),
                      a.reshape(2 * _T, d))
    return _sc_gather()(ys, yd, edges.astype(jnp.int32))

# --- scband reference (transcript-rebuilt; emitter-appended) ---
"""Pipeline reference for scband-edge-attention-369367188027 (READ-ONLY COPY).

The authoritative reference and input builder live on the scoring server;
editing this copy changes nothing except your own understanding.
"""

import jax, jax.numpy as jnp
import numpy as np

ATOM_D = 128
NUM_BOND_TYPES = 4
NEG_SLOPE = 0.2
B, N = 8, 64


def setup_inputs(seed: int = 0) -> dict:
    key = jax.random.key(seed)
    k1, k2, k3, k4 = jax.random.split(key, 4)
    src = jax.random.normal(k1, (B, N, ATOM_D), dtype=jnp.float32)
    dst = jax.random.normal(k2, (B, N, ATOM_D), dtype=jnp.float32)
    edges = jax.random.randint(k3, (B, N, N), 0, NUM_BOND_TYPES)
    fan = 2 * ATOM_D * NUM_BOND_TYPES
    bound = 1.414 * np.sqrt(6.0 / (fan + 1))
    a = jax.random.uniform(k4, (fan, 1), minval=-bound, maxval=bound, dtype=jnp.float32)
    return {"src_embeddings": src, "dst_embeddings": dst, "edges": edges, "a": a}


def _forward(src_embeddings, dst_embeddings, a, edges):
    b, n, d = src_embeddings.shape
    # pairwise concat: input_concat[b,i,j] = [src[b,i], dst[b,j]]
    src_rep = jnp.broadcast_to(src_embeddings[:, :, None, :], (b, n, n, d))
    dst_rep = jnp.broadcast_to(dst_embeddings[:, None, :, :], (b, n, n, d))
    input_concat = jnp.concatenate([src_rep, dst_rep], axis=-1)  # (B,N,N,2d)
    l = 2 * d
    lt = NUM_BOND_TYPES * l
    mask = edges >= 0
    k = jnp.clip(edges, 0)
    start = k * l
    offset = jnp.arange(l)
    idx = start[..., None] + offset
    idx = jnp.minimum(idx, lt - 1)
    mask_l = mask[..., None]
    idx = jnp.where(mask_l, idx, 0)
    src_vals = input_concat * mask_l.astype(input_concat.dtype)
    # torch scatter_(-1, idx, src_vals) overwrite-scatter into zeros along last dim
    flat_idx = idx.reshape(-1, l)
    flat_src = src_vals.reshape(-1, l)
    rows = jnp.arange(flat_idx.shape[0])[:, None]
    sparsed = jnp.zeros((flat_idx.shape[0], lt), dtype=src_vals.dtype)
    sparsed = sparsed.at[rows, flat_idx].set(flat_src)
    sparsed = sparsed.reshape(b, n, n, lt)
    scores = jnp.matmul(sparsed, a)[..., 0]  # (B,N,N)
    return jnp.where(scores >= 0, scores, NEG_SLOPE * scores)


def reference(src_embeddings, dst_embeddings, edges, a):
    return _forward(src_embeddings, dst_embeddings, a, edges)

if __name__ == "__main__":
    import jax
    _d = setup_inputs()
    print(jax.jit(kernel)(*tuple(_d.values())))

</pallas_src>

<mosaic_0001>
#map = affine_map<(d0, d1) -> (0, 0)>
#map1 = affine_map<(d0, d1) -> (0, 0, 0)>
module attributes {stable_mosaic.version = 14 : i64} {
  func.func @_sc_gather_body(%arg0: i32, %arg1: i32, %arg2: memref<512x8xf32, #tpu.memory_space<hbm>>, %arg3: memref<512x8xf32, #tpu.memory_space<hbm>>, %arg4: memref<8x64x64xi32, #tpu.memory_space<hbm>>, %arg5: memref<8x64x64xf32, #tpu.memory_space<hbm>>, %arg6: memref<16x8xf32, #tpu.memory_space<vmem>>, %arg7: memref<64x8xf32, #tpu.memory_space<vmem>>, %arg8: memref<16x64xi32, #tpu.memory_space<vmem>>, %arg9: memref<16x64xf32, #tpu.memory_space<vmem>>, %arg10: memref<!tpu.dma_semaphore, #tpu.memory_space<semaphore_mem>>, %arg11: memref<!tpu.dma_semaphore, #tpu.memory_space<semaphore_mem>>, %arg12: memref<!tpu.dma_semaphore, #tpu.memory_space<semaphore_mem>>) attributes {dimension_semantics = [#tpu.dimension_semantics<core_parallel>, #tpu.dimension_semantics<subcore_parallel>], iteration_bounds = array<i64: 2, 16>, scalar_prefetch = 0 : i64, scratch_operands = 7 : i64, tpu.core_type = #tpu.core_type<sc_vector_subcore>, window_params = [{transform_indices = #map}, {transform_indices = #map}, {transform_indices = #map1}, {transform_indices = #map1}]} {
    %mul3A = arith.constant 4 : i32
    %mul3A_0 = arith.muli %arg0, %mul3A : i32
    %jit3A = arith.constant 4 : i32
    %div3A = arith.divsi %arg1, %jit3A : i32
    %sign3A = arith.constant 0 : i32
    %sign3A_1 = arith.cmpi sgt, %arg1, %sign3A : i32
    %sign3A_2 = arith.extui %sign3A_1 : i1 to i32
    %sign3A_3 = arith.constant 0 : i32
    %sign3A_4 = arith.cmpi slt, %arg1, %sign3A_3 : i32
    %sign3A_5 = arith.extui %sign3A_4 : i1 to i32
    %sign3A_6 = arith.subi %sign3A_2, %sign3A_5 : i32
    %sign3A_7 = arith.constant 0 : i32
    %sign3A_8 = arith.cmpi sgt, %jit3A, %sign3A_7 : i32
    %sign3A_9 = arith.extui %sign3A_8 : i1 to i32
    %sign3A_10 = arith.constant 0 : i32
    %sign3A_11 = arith.cmpi slt, %jit3A, %sign3A_10 : i32
    %sign3A_12 = arith.extui %sign3A_11 : i1 to i32
    %sign3A_13 = arith.subi %sign3A_9, %sign3A_12 : i32
    %ne3A = arith.cmpi ne, %sign3A_6, %sign3A_13 : i32
    %rem3A = arith.remsi %arg1, %jit3A : i32
    %ne3A_14 = arith.constant 0 : i32
    %ne3A_15 = arith.cmpi ne, %rem3A, %ne3A_14 : i32
    %and3A = arith.andi %ne3A, %ne3A_15 : i1
    %sub3A = arith.constant 1 : i32
    %sub3A_16 = arith.subi %div3A, %sub3A : i32
    %select_n3A = arith.select %and3A, %sub3A_16, %div3A : i32
    %add3A = arith.addi %mul3A_0, %select_n3A : i32
    %jit3A_17 = arith.constant 4 : i32
    %eq3A = arith.constant 0 : i32
    %eq3A_18 = arith.cmpi eq, %jit3A_17, %eq3A : i32
    %jit3A_19 = arith.constant 1 : i32
    %select_n3A_20 = arith.select %eq3A_18, %jit3A_19, %jit3A_17 : i32
    %rem3A_21 = arith.remsi %arg1, %select_n3A_20 : i32
    %ne3A_22 = arith.constant 0 : i32
    %ne3A_23 = arith.cmpi ne, %rem3A_21, %ne3A_22 : i32
    %lt3A = arith.constant 0 : i32
    %lt3A_24 = arith.cmpi slt, %rem3A_21, %lt3A : i32
    %lt3A_25 = arith.constant 0 : i32
    %lt3A_26 = arith.cmpi slt, %select_n3A_20, %lt3A_25 : i32
    %ne3A_27 = arith.xori %lt3A_24, %lt3A_26 : i1
    %and3A_28 = arith.andi %ne3A_27, %ne3A_23 : i1
    %add3A_29 = arith.addi %rem3A_21, %select_n3A_20 : i32
    %select_n3A_30 = arith.select %and3A_28, %add3A_29, %rem3A_21 : i32
    %mul3A_31 = arith.constant 16 : i32
    %mul3A_32 = arith.muli %select_n3A_30, %mul3A_31 : i32
    %mul3A_33 = arith.constant 64 : i32
    %mul3A_34 = arith.muli %add3A, %mul3A_33 : i32
    %add3A_35 = arith.addi %mul3A_34, %mul3A_32 : i32
    %dma_start3A = arith.constant 0 : i32
    %dma_start3A_36 = tpu.memref_slice %arg2[%add3A_35, %dma_start3A] : memref<512x8xf32, #tpu.memory_space<hbm>> -> memref<16x8xf32, #tpu.memory_space<hbm>>
    %dma_start3A_37 = arith.constant 0 : i32
    %dma_start3A_38 = tpu.memref_slice %arg2[%add3A_35, %dma_start3A_37] : memref<512x8xf32, #tpu.memory_space<hbm>> -> memref<16x8xf32, #tpu.memory_space<hbm>>
    tpu.enqueue_dma source(%dma_start3A_38 : memref<16x8xf32, #tpu.memory_space<hbm>>) target(%arg6 : memref<16x8xf32, #tpu.memory_space<vmem>>) target_semaphore(%arg10 : memref<!tpu.dma_semaphore, #tpu.memory_space<semaphore_mem>>)
    %mul3A_39 = arith.constant 64 : i32
    %mul3A_40 = arith.muli %add3A, %mul3A_39 : i32
    %dma_start3A_41 = arith.constant 0 : i32
    %dma_start3A_42 = tpu.memref_slice %arg3[%mul3A_40, %dma_start3A_41] : memref<512x8xf32, #tpu.memory_space<hbm>> -> memref<64x8xf32, #tpu.memory_space<hbm>>
    %dma_start3A_43 = arith.constant 0 : i32
    %dma_start3A_44 = tpu.memref_slice %arg3[%mul3A_40, %dma_start3A_43] : memref<512x8xf32, #tpu.memory_space<hbm>> -> memref<64x8xf32, #tpu.memory_space<hbm>>
    tpu.enqueue_dma source(%dma_start3A_44 : memref<64x8xf32, #tpu.memory_space<hbm>>) target(%arg7 : memref<64x8xf32, #tpu.memory_space<vmem>>) target_semaphore(%arg11 : memref<!tpu.dma_semaphore, #tpu.memory_space<semaphore_mem>>)
    %dma_start3A_45 = arith.constant 0 : i32
    %dma_start3A_46 = tpu.memref_slice %arg4[%add3A, %mul3A_32, %dma_start3A_45] : memref<8x64x64xi32, #tpu.memory_space<hbm>> -> memref<1x16x64xi32, #tpu.memory_space<hbm>>
    %dma_start3A_47 = tpu.memref_squeeze %dma_start3A_46 : memref<1x16x64xi32, #tpu.memory_space<hbm>> -> memref<16x64xi32, #tpu.memory_space<hbm>>
    %dma_start3A_48 = arith.constant 0 : i32
    %dma_start3A_49 = tpu.memref_slice %arg4[%add3A, %mul3A_32, %dma_start3A_48] : memref<8x64x64xi32, #tpu.memory_space<hbm>> -> memref<1x16x64xi32, #tpu.memory_space<hbm>>
    %dma_start3A_50 = tpu.memref_squeeze %dma_start3A_49 : memref<1x16x64xi32, #tpu.memory_space<hbm>> -> memref<16x64xi32, #tpu.memory_space<hbm>>
    tpu.enqueue_dma source(%dma_start3A_50 : memref<16x64xi32, #tpu.memory_space<hbm>>) target(%arg8 : memref<16x64xi32, #tpu.memory_space<vmem>>) target_semaphore(%arg12 : memref<!tpu.dma_semaphore, #tpu.memory_space<semaphore_mem>>)
    %dma_wait3A = arith.constant 0 : i32
    %dma_wait3A_51 = tpu.memref_slice %arg2[%add3A_35, %dma_wait3A] : memref<512x8xf32, #tpu.memory_space<hbm>> -> memref<16x8xf32, #tpu.memory_space<hbm>>
    %dma_wait3A_52 = arith.constant 0 : i32
    %dma_wait3A_53 = tpu.memref_slice %arg2[%add3A_35, %dma_wait3A_52] : memref<512x8xf32, #tpu.memory_space<hbm>> -> memref<16x8xf32, #tpu.memory_space<hbm>>
    tpu.wait_dma2 semaphore(%arg10 : memref<!tpu.dma_semaphore, #tpu.memory_space<semaphore_mem>>) src(%dma_wait3A_53 : memref<16x8xf32, #tpu.memory_space<hbm>>) dst(%arg6 : memref<16x8xf32, #tpu.memory_space<vmem>>)
    %dma_wait3A_54 = arith.constant 0 : i32
    %dma_wait3A_55 = tpu.memref_slice %arg3[%mul3A_40, %dma_wait3A_54] : memref<512x8xf32, #tpu.memory_space<hbm>> -> memref<64x8xf32, #tpu.memory_space<hbm>>
    %dma_wait3A_56 = arith.constant 0 : i32
    %dma_wait3A_57 = tpu.memref_slice %arg3[%mul3A_40, %dma_wait3A_56] : memref<512x8xf32, #tpu.memory_space<hbm>> -> memref<64x8xf32, #tpu.memory_space<hbm>>
    tpu.wait_dma2 semaphore(%arg11 : memref<!tpu.dma_semaphore, #tpu.memory_space<semaphore_mem>>) src(%dma_wait3A_57 : memref<64x8xf32, #tpu.memory_space<hbm>>) dst(%arg7 : memref<64x8xf32, #tpu.memory_space<vmem>>)
    %dma_wait3A_58 = arith.constant 0 : i32
    %dma_wait3A_59 = tpu.memref_slice %arg4[%add3A, %mul3A_32, %dma_wait3A_58] : memref<8x64x64xi32, #tpu.memory_space<hbm>> -> memref<1x16x64xi32, #tpu.memory_space<hbm>>
    %dma_wait3A_60 = tpu.memref_squeeze %dma_wait3A_59 : memref<1x16x64xi32, #tpu.memory_space<hbm>> -> memref<16x64xi32, #tpu.memory_space<hbm>>
    %dma_wait3A_61 = arith.constant 0 : i32
    %dma_wait3A_62 = tpu.memref_slice %arg4[%add3A, %mul3A_32, %dma_wait3A_61] : memref<8x64x64xi32, #tpu.memory_space<hbm>> -> memref<1x16x64xi32, #tpu.memory_space<hbm>>
    %dma_wait3A_63 = tpu.memref_squeeze %dma_wait3A_62 : memref<1x16x64xi32, #tpu.memory_space<hbm>> -> memref<16x64xi32, #tpu.memory_space<hbm>>
    tpu.wait_dma2 semaphore(%arg12 : memref<!tpu.dma_semaphore, #tpu.memory_space<semaphore_mem>>) src(%dma_wait3A_63 : memref<16x64xi32, #tpu.memory_space<hbm>>) dst(%arg8 : memref<16x64xi32, #tpu.memory_space<vmem>>)
    %iota3A = tpu.iota {dimensions = array<i32: 0>} : vector<16xi32>
    %broadcast_in_dim3A = arith.constant 0 : i32
    %broadcast_in_dim3A_64 = vector.broadcast %broadcast_in_dim3A : i32 to vector<16xi32>
    %get3A = arith.constant 0 : i32
    %get3A_65 = arith.index_cast %get3A : i32 to index
    %get3A_66 = arith.constant 0 : index
    %get3A_67 = tpu.vector_load %arg8[%get3A_65, %get3A_66] {strides = array<i32>} : memref<16x64xi32, #tpu.memory_space<vmem>>, vector<16xi32>,
    %add3A_68 = arith.addi %get3A_67, %get3A_67 : vector<16xi32>
    %add3A_69 = arith.constant 0 : i32
    %add3A_70 = vector.broadcast %add3A_69 : i32 to vector<16xi32>
    %add3A_71 = arith.addi %iota3A, %add3A_70 : vector<16xi32>
    %add3A_72 = arith.constant 1 : i32
    %add3A_73 = vector.broadcast %add3A_72 : i32 to vector<16xi32>
    %add3A_74 = arith.addi %add3A_68, %add3A_73 : vector<16xi32>
    %gather3A = tpu.vector_load_idx %arg7[%add3A_71, %add3A_74] : memref<64x8xf32, #tpu.memory_space<vmem>>[vector<16xi32>, vector<16xi32>], vector<16xf32>,
    %gather3A_75 = tpu.vector_load_idx %arg6[%broadcast_in_dim3A_64, %add3A_68] : memref<16x8xf32, #tpu.memory_space<vmem>>[vector<16xi32>, vector<16xi32>], vector<16xf32>,
    %add3A_76 = arith.addf %gather3A_75, %gather3A : vector<16xf32>
    %ge3A = arith.constant 0.000000e+00 : f32
    %ge3A_77 = vector.broadcast %ge3A : f32 to vector<16xf32>
    %ge3A_78 = arith.cmpf oge, %add3A_76, %ge3A_77 : vector<16xf32>
    %mul3A_79 = arith.constant 2.000000e-01 : f32
    %mul3A_80 = vector.broadcast %mul3A_79 : f32 to vector<16xf32>
    %mul3A_81 = arith.mulf %mul3A_80, %add3A_76 : vector<16xf32>
    %select_n3A_82 = arith.select %ge3A_78, %add3A_76, %mul3A_81 : vector<16xi1>, vector<16xf32>
    %swap3A = arith.constant 0 : i32
    %swap3A_83 = arith.index_cast %swap3A : i32 to index
    %swap3A_84 = arith.constant 0 : index
    %swap3A_85 = tpu.vector_load %arg9[%swap3A_83, %swap3A_84] {strides = array<i32>} : memref<16x64xf32, #tpu.memory_space<vmem>>, vector<16xf32>,
    tpu.vector_store %arg9[%swap3A_83, %swap3A_84], %select_n3A_82 {strides = array<i32>} : memref<16x64xf32, #tpu.memory_space<vmem>>, vector<16xf32>,
    %get3A_86 = arith.constant 0 : i32
    %get3A_87 = arith.index_cast %get3A_86 : i32 to index
    %get3A_88 = arith.constant 16 : index
    %get3A_89 = tpu.vector_load %arg8[%get3A_87, %get3A_88] {strides = array<i32>} : memref<16x64xi32, #tpu.memory_space<vmem>>, vector<16xi32>,
    %add3A_90 = arith.addi %get3A_89, %get3A_89 : vector<16xi32>
    %add3A_91 = arith.constant 16 : i32
    %add3A_92 = vector.broadcast %add3A_91 : i32 to vector<16xi32>
    %add3A_93 = arith.addi %iota3A, %add3A_92 : vector<16xi32>
    %add3A_94 = arith.constant 1 : i32
    %add3A_95 = vector.broadcast %add3A_94 : i32 to vector<16xi32>
    %add3A_96 = arith.addi %add3A_90, %add3A_95 : vector<16xi32>
    %gather3A_97 = tpu.vector_load_idx %arg7[%add3A_93, %add3A_96] : memref<64x8xf32, #tpu.memory_space<vmem>>[vector<16xi32>, vector<16xi32>], vector<16xf32>,
    %gather3A_98 = tpu.vector_load_idx %arg6[%broadcast_in_dim3A_64, %add3A_90] : memref<16x8xf32, #tpu.memory_space<vmem>>[vector<16xi32>, vector<16xi32>], vector<16xf32>,
    %add3A_99 = arith.addf %gather3A_98, %gather3A_97 : vector<16xf32>
    %ge3A_100 = arith.constant 0.000000e+00 : f32
    %ge3A_101 = vector.broadcast %ge3A_100 : f32 to vector<16xf32>
    %ge3A_102 = arith.cmpf oge, %add3A_99, %ge3A_101 : vector<16xf32>
    %mul3A_103 = arith.constant 2.000000e-01 : f32
    %mul3A_104 = vector.broadcast %mul3A_103 : f32 to vector<16xf32>
    %mul3A_105 = arith.mulf %mul3A_104, %add3A_99 : vector<16xf32>
    %select_n3A_106 = arith.select %ge3A_102, %add3A_99, %mul3A_105 : vector<16xi1>, vector<16xf32>
    %swap3A_107 = arith.constant 0 : i32
    %swap3A_108 = arith.index_cast %swap3A_107 : i32 to index
    %swap3A_109 = arith.constant 16 : index
    %swap3A_110 = tpu.vector_load %arg9[%swap3A_108, %swap3A_109] {strides = array<i32>} : memref<16x64xf32, #tpu.memory_space<vmem>>, vector<16xf32>,
    tpu.vector_store %arg9[%swap3A_108, %swap3A_109], %select_n3A_106 {strides = array<i32>} : memref<16x64xf32, #tpu.memory_space<vmem>>, vector<16xf32>,
    %get3A_111 = arith.constant 0 : i32
    %get3A_112 = arith.index_cast %get3A_111 : i32 to index
    %get3A_113 = arith.constant 32 : index
    %get3A_114 = tpu.vector_load %arg8[%get3A_112, %get3A_113] {strides = array<i32>} : memref<16x64xi32, #tpu.memory_space<vmem>>, vector<16xi32>,
    %add3A_115 = arith.addi %get3A_114, %get3A_114 : vector<16xi32>
    %add3A_116 = arith.constant 32 : i32
    %add3A_117 = vector.broadcast %add3A_116 : i32 to vector<16xi32>
    %add3A_118 = arith.addi %iota3A, %add3A_117 : vector<16xi32>
    %add3A_119 = arith.constant 1 : i32
    %add3A_120 = vector.broadcast %add3A_119 : i32 to vector<16xi32>
    %add3A_121 = arith.addi %add3A_115, %add3A_120 : vector<16xi32>
    %gather3A_122 = tpu.vector_load_idx %arg7[%add3A_118, %add3A_121] : memref<64x8xf32, #tpu.memory_space<vmem>>[vector<16xi32>, vector<16xi32>], vector<16xf32>,
    %gather3A_123 = tpu.vector_load_idx %arg6[%broadcast_in_dim3A_64, %add3A_115] : memref<16x8xf32, #tpu.memory_space<vmem>>[vector<16xi32>, vector<16xi32>], vector<16xf32>,
    %add3A_124 = arith.addf %gather3A_123, %gather3A_122 : vector<16xf32>
    %ge3A_125 = arith.constant 0.000000e+00 : f32
    %ge3A_126 = vector.broadcast %ge3A_125 : f32 to vector<16xf32>
    %ge3A_127 = arith.cmpf oge, %add3A_124, %ge3A_126 : vector<16xf32>
    %mul3A_128 = arith.constant 2.000000e-01 : f32
    %mul3A_129 = vector.broadcast %mul3A_128 : f32 to vector<16xf32>
    %mul3A_130 = arith.mulf %mul3A_129, %add3A_124 : vector<16xf32>
    %select_n3A_131 = arith.select %ge3A_127, %add3A_124, %mul3A_130 : vector<16xi1>, vector<16xf32>
    %swap3A_132 = arith.constant 0 : i32
    %swap3A_133 = arith.index_cast %swap3A_132 : i32 to index
    %swap3A_134 = arith.constant 32 : index
    %swap3A_135 = tpu.vector_load %arg9[%swap3A_133, %swap3A_134] {strides = array<i32>} : memref<16x64xf32, #tpu.memory_space<vmem>>, vector<16xf32>,
    tpu.vector_store %arg9[%swap3A_133, %swap3A_134], %select_n3A_131 {strides = array<i32>} : memref<16x64xf32, #tpu.memory_space<vmem>>, vector<16xf32>,
    %get3A_136 = arith.constant 0 : i32
    %get3A_137 = arith.index_cast %get3A_136 : i32 to index
    %get3A_138 = arith.constant 48 : index
    %get3A_139 = tpu.vector_load %arg8[%get3A_137, %get3A_138] {strides = array<i32>} : memref<16x64xi32, #tpu.memory_space<vmem>>, vector<16xi32>,
    %add3A_140 = arith.addi %get3A_139, %get3A_139 : vector<16xi32>
    %add3A_141 = arith.constant 48 : i32
    %add3A_142 = vector.broadcast %add3A_141 : i32 to vector<16xi32>
    %add3A_143 = arith.addi %iota3A, %add3A_142 : vector<16xi32>
    %add3A_144 = arith.constant 1 : i32
    %add3A_145 = vector.broadcast %add3A_144 : i32 to vector<16xi32>
    %add3A_146 = arith.addi %add3A_140, %add3A_145 : vector<16xi32>
    %gather3A_147 = tpu.vector_load_idx %arg7[%add3A_143, %add3A_146] : memref<64x8xf32, #tpu.memory_space<vmem>>[vector<16xi32>, vector<16xi32>], vector<16xf32>,
    %gather3A_148 = tpu.vector_load_idx %arg6[%broadcast_in_dim3A_64, %add3A_140] : memref<16x8xf32, #tpu.memory_space<vmem>>[vector<16xi32>, vector<16xi32>], vector<16xf32>,
    %add3A_149 = arith.addf %gather3A_148, %gather3A_147 : vector<16xf32>
    %ge3A_150 = arith.constant 0.000000e+00 : f32
    %ge3A_151 = vector.broadcast %ge3A_150 : f32 to vector<16xf32>
    %ge3A_152 = arith.cmpf oge, %add3A_149, %ge3A_151 : vector<16xf32>
    %mul3A_153 = arith.constant 2.000000e-01 : f32
    %mul3A_154 = vector.broadcast %mul3A_153 : f32 to vector<16xf32>
    %mul3A_155 = arith.mulf %mul3A_154, %add3A_149 : vector<16xf32>
    %select_n3A_156 = arith.select %ge3A_152, %add3A_149, %mul3A_155 : vector<16xi1>, vector<16xf32>
    %swap3A_157 = arith.constant 0 : i32
    %swap3A_158 = arith.index_cast %swap3A_157 : i32 to index
    %swap3A_159 = arith.constant 48 : index
    %swap3A_160 = tpu.vector_load %arg9[%swap3A_158, %swap3A_159] {strides = array<i32>} : memref<16x64xf32, #tpu.memory_space<vmem>>, vector<16xf32>,
    tpu.vector_store %arg9[%swap3A_158, %swap3A_159], %select_n3A_156 {strides = array<i32>} : memref<16x64xf32, #tpu.memory_space<vmem>>, vector<16xf32>,
    %broadcast_in_dim3A_161 = arith.constant 1 : i32
    %broadcast_in_dim3A_162 = vector.broadcast %broadcast_in_dim3A_161 : i32 to vector<16xi32>
    %get3A_163 = arith.constant 1 : i32
    %get3A_164 = arith.index_cast %get3A_163 : i32 to index
    %get3A_165 = arith.constant 0 : index
    %get3A_166 = tpu.vector_load %arg8[%get3A_164, %get3A_165] {strides = array<i32>} : memref<16x64xi32, #tpu.memory_space<vmem>>, vector<16xi32>,
    %add3A_167 = arith.addi %get3A_166, %get3A_166 : vector<16xi32>
    %add3A_168 = arith.constant 0 : i32
    %add3A_169 = vector.broadcast %add3A_168 : i32 to vector<16xi32>
    %add3A_170 = arith.addi %iota3A, %add3A_169 : vector<16xi32>
    %add3A_171 = arith.constant 1 : i32
    %add3A_172 = vector.broadcast %add3A_171 : i32 to vector<16xi32>
    %add3A_173 = arith.addi %add3A_167, %add3A_172 : vector<16xi32>
    %gather3A_174 = tpu.vector_load_idx %arg7[%add3A_170, %add3A_173] : memref<64x8xf32, #tpu.memory_space<vmem>>[vector<16xi32>, vector<16xi32>], vector<16xf32>,
    %gather3A_175 = tpu.vector_load_idx %arg6[%broadcast_in_dim3A_162, %add3A_167] : memref<16x8xf32, #tpu.memory_space<vmem>>[vector<16xi32>, vector<16xi32>], vector<16xf32>,
    %add3A_176 = arith.addf %gather3A_175, %gather3A_174 : vector<16xf32>
    %ge3A_177 = arith.constant 0.000000e+00 : f32
    %ge3A_178 = vector.broadcast %ge3A_177 : f32 to vector<16xf32>
    %ge3A_179 = arith.cmpf oge, %add3A_176, %ge3A_178 : vector<16xf32>
    %mul3A_180 = arith.constant 2.000000e-01 : f32
    %mul3A_181 = vector.broadcast %mul3A_180 : f32 to vector<16xf32>
    %mul3A_182 = arith.mulf %mul3A_181, %add3A_176 : vector<16xf32>
    %select_n3A_183 = arith.select %ge3A_179, %add3A_176, %mul3A_182 : vector<16xi1>, vector<16xf32>
    %swap3A_184 = arith.constant 1 : i32
    %swap3A_185 = arith.index_cast %swap3A_184 : i32 to index
    %swap3A_186 = arith.constant 0 : index
    %swap3A_187 = tpu.vector_load %arg9[%swap3A_185, %swap3A_186] {strides = array<i32>} : memref<16x64xf32, #tpu.memory_space<vmem>>, vector<16xf32>,
    tpu.vector_store %arg9[%swap3A_185, %swap3A_186], %select_n3A_183 {strides = array<i32>} : memref<16x64xf32, #tpu.memory_space<vmem>>, vector<16xf32>,
    %get3A_188 = arith.constant 1 : i32
    %get3A_189 = arith.index_cast %get3A_188 : i32 to index
    %get3A_190 = arith.constant 16 : index
    %get3A_191 = tpu.vector_load %arg8[%get3A_189, %get3A_190] {strides = array<i32>} : memref<16x64xi32, #tpu.memory_space<vmem>>, vector<16xi32>,
    %add3A_192 = arith.addi %get3A_191, %get3A_191 : vector<16xi32>
    %add3A_193 = arith.constant 16 : i32
    %add3A_194 = vector.broadcast %add3A_193 : i32 to vector<16xi32>
    %add3A_195 = arith.addi %iota3A, %add3A_194 : vector<16xi32>
    %add3A_196 = arith.constant 1 : i32
    %add3A_197 = vector.broadcast %add3A_196 : i32 to vector<16xi32>
    %add3A_198 = arith.addi %add3A_192, %add3A_197 : vector<16xi32>
    %gather3A_199 = tpu.vector_load_idx %arg7[%add3A_195, %add3A_198] : memref<64x8xf32, #tpu.memory_space<vmem>>[vector<16xi32>, vector<16xi32>], vector<16xf32>,
    %gather3A_200 = tpu.vector_load_idx %arg6[%broadcast_in_dim3A_162, %add3A_192] : memref<16x8xf32, #tpu.memory_space<vmem>>[vector<16xi32>, vector<16xi32>], vector<16xf32>,
    %add3A_201 = arith.addf %gather3A_200, %gather3A_199 : vector<16xf32>
    %ge3A_202 = arith.constant 0.000000e+00 : f32
    %ge3A_203 = vector.broadcast %ge3A_202 : f32 to vector<16xf32>
    %ge3A_204 = arith.cmpf oge, %add3A_201, %ge3A_203 : vector<16xf32>
    %mul3A_205 = arith.constant 2.000000e-01 : f32
    %mul3A_206 = vector.broadcast %mul3A_205 : f32 to vector<16xf32>
    %mul3A_207 = arith.mulf %mul3A_206, %add3A_201 : vector<16xf32>
    %select_n3A_208 = arith.select %ge3A_204, %add3A_201, %mul3A_207 : vector<16xi1>, vector<16xf32>
    %swap3A_209 = arith.constant 1 : i32
    %swap3A_210 = arith.index_cast %swap3A_209 : i32 to index
    %swap3A_211 = arith.constant 16 : index
    %swap3A_212 = tpu.vector_load %arg9[%swap3A_210, %swap3A_211] {strides = array<i32>} : memref<16x64xf32, #tpu.memory_space<vmem>>, vector<16xf32>,
    tpu.vector_store %arg9[%swap3A_210, %swap3A_211], %select_n3A_208 {strides = array<i32>} : memref<16x64xf32, #tpu.memory_space<vmem>>, vector<16xf32>,
    %get3A_213 = arith.constant 1 : i32
    %get3A_214 = arith.index_cast %get3A_213 : i32 to index
    %get3A_215 = arith.constant 32 : index
    %get3A_216 = tpu.vector_load %arg8[%get3A_214, %get3A_215] {strides = array<i32>} : memref<16x64xi32, #tpu.memory_space<vmem>>, vector<16xi32>,
    %add3A_217 = arith.addi %get3A_216, %get3A_216 : vector<16xi32>
    %add3A_218 = arith.constant 32 : i32
    %add3A_219 = vector.broadcast %add3A_218 : i32 to vector<16xi32>
    %add3A_220 = arith.addi %iota3A, %add3A_219 : vector<16xi32>
    %add3A_221 = arith.constant 1 : i32
    %add3A_222 = vector.broadcast %add3A_221 : i32 to vector<16xi32>
    %add3A_223 = arith.addi %add3A_217, %add3A_222 : vector<16xi32>
    %gather3A_224 = tpu.vector_load_idx %arg7[%add3A_220, %add3A_223] : memref<64x8xf32, #tpu.memory_space<vmem>>[vector<16xi32>, vector<16xi32>], vector<16xf32>,
    %gather3A_225 = tpu.vector_load_idx %arg6[%broadcast_in_dim3A_162, %add3A_217] : memref<16x8xf32, #tpu.memory_space<vmem>>[vector<16xi32>, vector<16xi32>], vector<16xf32>,
    %add3A_226 = arith.addf %gather3A_225, %gather3A_224 : vector<16xf32>
    %ge3A_227 = arith.constant 0.000000e+00 : f32
    %ge3A_228 = vector.broadcast %ge3A_227 : f32 to vector<16xf32>
    %ge3A_229 = arith.cmpf oge, %add3A_226, %ge3A_228 : vector<16xf32>
    %mul3A_230 = arith.constant 2.000000e-01 : f32
    %mul3A_231 = vector.broadcast %mul3A_230 : f32 to vector<16xf32>
    %mul3A_232 = arith.mulf %mul3A_231, %add3A_226 : vector<16xf32>
    %select_n3A_233 = arith.select %ge3A_229, %add3A_226, %mul3A_232 : vector<16xi1>, vector<16xf32>
    %swap3A_234 = arith.constant 1 : i32
    %swap3A_235 = arith.index_cast %swap3A_234 : i32 to index
    %swap3A_236 = arith.constant 32 : index
    %swap3A_237 = tpu.vector_load %arg9[%swap3A_235, %swap3A_236] {strides = array<i32>} : memref<16x64xf32, #tpu.memory_space<vmem>>, vector<16xf32>,
    tpu.vector_store %arg9[%swap3A_235, %swap3A_236], %select_n3A_233 {strides = array<i32>} : memref<16x64xf32, #tpu.memory_space<vmem>>, vector<16xf32>,
    %get3A_238 = arith.constant 1 : i32
    %get3A_239 = arith.index_cast %get3A_238 : i32 to index
    %get3A_240 = arith.constant 48 : index
    %get3A_241 = tpu.vector_load %arg8[%get3A_239, %get3A_240] {strides = array<i32>} : memref<16x64xi32, #tpu.memory_space<vmem>>, vector<16xi32>,
    %add3A_242 = arith.addi %get3A_241, %get3A_241 : vector<16xi32>
    %add3A_243 = arith.constant 48 : i32
    %add3A_244 = vector.broadcast %add3A_243 : i32 to vector<16xi32>
    %add3A_245 = arith.addi %iota3A, %add3A_244 : vector<16xi32>
    %add3A_246 = arith.constant 1 : i32
    %add3A_247 = vector.broadcast %add3A_246 : i32 to vector<16xi32>
    %add3A_248 = arith.addi %add3A_242, %add3A_247 : vector<16xi32>
    %gather3A_249 = tpu.vector_load_idx %arg7[%add3A_245, %add3A_248] : memref<64x8xf32, #tpu.memory_space<vmem>>[vector<16xi32>, vector<16xi32>], vector<16xf32>,
    %gather3A_250 = tpu.vector_load_idx %arg6[%broadcast_in_dim3A_162, %add3A_242] : memref<16x8xf32, #tpu.memory_space<vmem>>[vector<16xi32>, vector<16xi32>], vector<16xf32>,
    %add3A_251 = arith.addf %gather3A_250, %gather3A_249 : vector<16xf32>
    %ge3A_252 = arith.constant 0.000000e+00 : f32
    %ge3A_253 = vector.broadcast %ge3A_252 : f32 to vector<16xf32>
    %ge3A_254 = arith.cmpf oge, %add3A_251, %ge3A_253 : vector<16xf32>
    %mul3A_255 = arith.constant 2.000000e-01 : f32
    %mul3A_256 = vector.broadcast %mul3A_255 : f32 to vector<16xf32>
    %mul3A_257 = arith.mulf %mul3A_256, %add3A_251 : vector<16xf32>
    %select_n3A_258 = arith.select %ge3A_254, %add3A_251, %mul3A_257 : vector<16xi1>, vector<16xf32>
    %swap3A_259 = arith.constant 1 : i32
    %swap3A_260 = arith.index_cast %swap3A_259 : i32 to index
    %swap3A_261 = arith.constant 48 : index
    %swap3A_262 = tpu.vector_load %arg9[%swap3A_260, %swap3A_261] {strides = array<i32>} : memref<16x64xf32, #tpu.memory_space<vmem>>, vector<16xf32>,
    tpu.vector_store %arg9[%swap3A_260, %swap3A_261], %select_n3A_258 {strides = array<i32>} : memref<16x64xf32, #tpu.memory_space<vmem>>, vector<16xf32>,
    %broadcast_in_dim3A_263 = arith.constant 2 : i32
    %broadcast_in_dim3A_264 = vector.broadcast %broadcast_in_dim3A_263 : i32 to vector<16xi32>
    %get3A_265 = arith.constant 2 : i32
    %get3A_266 = arith.index_cast %get3A_265 : i32 to index
    %get3A_267 = arith.constant 0 : index
    %get3A_268 = tpu.vector_load %arg8[%get3A_266, %get3A_267] {strides = array<i32>} : memref<16x64xi32, #tpu.memory_space<vmem>>, vector<16xi32>,
    %add3A_269 = arith.addi %get3A_268, %get3A_268 : vector<16xi32>
    %add3A_270 = arith.constant 0 : i32
    %add3A_271 = vector.broadcast %add3A_270 : i32 to vector<16xi32>
    %add3A_272 = arith.addi %iota3A, %add3A_271 : vector<16xi32>
    %add3A_273 = arith.constant 1 : i32
    %add3A_274 = vector.broadcast %add3A_273 : i32 to vector<16xi32>
    %add3A_275 = arith.addi %add3A_269, %add3A_274 : vector<16xi32>
    %gather3A_276 = tpu.vector_load_idx %arg7[%add3A_272, %add3A_275] : memref<64x8xf32, #tpu.memory_space<vmem>>[vector<16xi32>, vector<16xi32>], vector<16xf32>,
    %gather3A_277 = tpu.vector_load_idx %arg6[%broadcast_in_dim3A_264, %add3A_269] : memref<16x8xf32, #tpu.memory_space<vmem>>[vector<16xi32>, vector<16xi32>], vector<16xf32>,
    %add3A_278 = arith.addf %gather3A_277, %gather3A_276 : vector<16xf32>
    %ge3A_279 = arith.constant 0.000000e+00 : f32
    %ge3A_280 = vector.broadcast %ge3A_279 : f32 to vector<16xf32>
    %ge3A_281 = arith.cmpf oge, %add3A_278, %ge3A_280 : vector<16xf32>
    %mul3A_282 = arith.constant 2.000000e-01 : f32
    %mul3A_283 = vector.broadcast %mul3A_282 : f32 to vector<16xf32>
    %mul3A_284 = arith.mulf %mul3A_283, %add3A_278 : vector<16xf32>
    %select_n3A_285 = arith.select %ge3A_281, %add3A_278, %mul3A_284 : vector<16xi1>, vector<16xf32>
    %swap3A_286 = arith.constant 2 : i32
    %swap3A_287 = arith.index_cast %swap3A_286 : i32 to index
    %swap3A_288 = arith.constant 0 : index
    %swap3A_289 = tpu.vector_load %arg9[%swap3A_287, %swap3A_288] {strides = array<i32>} : memref<16x64xf32, #tpu.memory_space<vmem>>, vector<16xf32>,
    tpu.vector_store %arg9[%swap3A_287, %swap3A_288], %select_n3A_285 {strides = array<i32>} : memref<16x64xf32, #tpu.memory_space<vmem>>, vector<16xf32>,
    %get3A_290 = arith.constant 2 : i32
    %get3A_291 = arith.index_cast %get3A_290 : i32 to index
    %get3A_292 = arith.constant 16 : index
    %get3A_293 = tpu.vector_load %arg8[%get3A_291, %get3A_292] {strides = array<i32>} : memref<16x64xi32, #tpu.memory_space<vmem>>, vector<16xi32>,
    %add3A_294 = arith.addi %get3A_293, %get3A_293 : vector<16xi32>
    %add3A_295 = arith.constant 16 : i32
    %add3A_296 = vector.broadcast %add3A_295 : i32 to vector<16xi32>
    %add3A_297 = arith.addi %iota3A, %add3A_296 : vector<16xi32>
    %add3A_298 = arith.constant 1 : i32
    %add3A_299 = vector.broadcast %add3A_298 : i32 to vector<16xi32>
    %add3A_300 = arith.addi %add3A_294, %add3A_299 : vector<16xi32>
    %gather3A_301 = tpu.vector_load_idx %arg7[%add3A_297, %add3A_300] : memref<64x8xf32, #tpu.memory_space<vmem>>[vector<16xi32>, vector<16xi32>], vector<16xf32>,
    %gather3A_302 = tpu.vector_load_idx %arg6[%broadcast_in_dim3A_264, %add3A_294] : memref<16x8xf32, #tpu.memory_space<vmem>>[vector<16xi32>, vector<16xi32>], vector<16xf32>,
    %add3A_303 = arith.addf %gather3A_302, %gather3A_301 : vector<16xf32>
    %ge3A_304 = arith.constant 0.000000e+00 : f32
    %ge3A_305 = vector.broadcast %ge3A_304 : f32 to vector<16xf32>
    %ge3A_306 = arith.cmpf oge, %add3A_303, %ge3A_305 : vector<16xf32>
    %mul3A_307 = arith.constant 2.000000e-01 : f32
    %mul3A_308 = vector.broadcast %mul3A_307 : f32 to vector<16xf32>
    %mul3A_309 = arith.mulf %mul3A_308, %add3A_303 : vector<16xf32>
    %select_n3A_310 = arith.select %ge3A_306, %add3A_303, %mul3A_309 : vector<16xi1>, vector<16xf32>
    %swap3A_311 = arith.constant 2 : i32
    %swap3A_312 = arith.index_cast %swap3A_311 : i32 to index
    %swap3A_313 = arith.constant 16 : index
    %swap3A_314 = tpu.vector_load %arg9[%swap3A_312, %swap3A_313] {strides = array<i32>} : memref<16x64xf32, #tpu.memory_space<vmem>>, vector<16xf32>,
    tpu.vector_store %arg9[%swap3A_312, %swap3A_313], %select_n3A_310 {strides = array<i32>} : memref<16x64xf32, #tpu.memory_space<vmem>>, vector<16xf32>,
    %get3A_315 = arith.constant 2 : i32
    %get3A_316 = arith.index_cast %get3A_315 : i32 to index
    %get3A_317 = arith.constant 32 : index
    %get3A_318 = tpu.vector_load %arg8[%get3A_316, %get3A_317] {strides = array<i32>} : memref<16x64xi32, #tpu.memory_space<vmem>>, vector<16xi32>,
    %add3A_319 = arith.addi %get3A_318, %get3A_318 : vector<16xi32>
    %add3A_320 = arith.constant 32 : i32
    %add3A_321 = vector.broadcast %add3A_320 : i32 to vector<16xi32>
    %add3A_322 = arith.addi %iota3A, %add3A_321 : vector<16xi32>
    %add3A_323 = arith.constant 1 : i32
    %add3A_324 = vector.broadcast %add3A_323 : i32 to vector<16xi32>
    %add3A_325 = arith.addi %add3A_319, %add3A_324 : vector<16xi32>
    %gather3A_326 = tpu.vector_load_idx %arg7[%add3A_322, %add3A_325] : memref<64x8xf32, #tpu.memory_space<vmem>>[vector<16xi32>, vector<16xi32>], vector<16xf32>,
    %gather3A_327 = tpu.vector_load_idx %arg6[%broadcast_in_dim3A_264, %add3A_319] : memref<16x8xf32, #tpu.memory_space<vmem>>[vector<16xi32>, vector<16xi32>], vector<16xf32>,
    %add3A_328 = arith.addf %gather3A_327, %gather3A_326 : vector<16xf32>
    %ge3A_329 = arith.constant 0.000000e+00 : f32
    %ge3A_330 = vector.broadcast %ge3A_329 : f32 to vector<16xf32>
    %ge3A_331 = arith.cmpf oge, %add3A_328, %ge3A_330 : vector<16xf32>
    %mul3A_332 = arith.constant 2.000000e-01 : f32
    %mul3A_333 = vector.broadcast %mul3A_332 : f32 to vector<16xf32>
    %mul3A_334 = arith.mulf %mul3A_333, %add3A_328 : vector<16xf32>
    %select_n3A_335 = arith.select %ge3A_331, %add3A_328, %mul3A_334 : vector<16xi1>, vector<16xf32>
    %swap3A_336 = arith.constant 2 : i32
    %swap3A_337 = arith.index_cast %swap3A_336 : i32 to index
    %swap3A_338 = arith.constant 32 : index
    %swap3A_339 = tpu.vector_load %arg9[%swap3A_337, %swap3A_338] {strides = array<i32>} : memref<16x64xf32, #tpu.memory_space<vmem>>, vector<16xf32>,
    tpu.vector_store %arg9[%swap3A_337, %swap3A_338], %select_n3A_335 {strides = array<i32>} : memref<16x64xf32, #tpu.memory_space<vmem>>, vector<16xf32>,
    %get3A_340 = arith.constant 2 : i32
    %get3A_341 = arith.index_cast %get3A_340 : i32 to index
    %get3A_342 = arith.constant 48 : index
    %get3A_343 = tpu.vector_load %arg8[%get3A_341, %get3A_342] {strides = array<i32>} : memref<16x64xi32, #tpu.memory_space<vmem>>, vector<16xi32>,
    %add3A_344 = arith.addi %get3A_343, %get3A_343 : vector<16xi32>
    %add3A_345 = arith.constant 48 : i32
    %add3A_346 = vector.broadcast %add3A_345 : i32 to vector<16xi32>
    %add3A_347 = arith.addi %iota3A, %add3A_346 : vector<16xi32>
    %add3A_348 = arith.constant 1 : i32
    %add3A_349 = vector.broadcast %add3A_348 : i32 to vector<16xi32>
    %add3A_350 = arith.addi %add3A_344, %add3A_349 : vector<16xi32>
    %gather3A_351 = tpu.vector_load_idx %arg7[%add3A_347, %add3A_350] : memref<64x8xf32, #tpu.memory_space<vmem>>[vector<16xi32>, vector<16xi32>], vector<16xf32>,
    %gather3A_352 = tpu.vector_load_idx %arg6[%broadcast_in_dim3A_264, %add3A_344] : memref<16x8xf32, #tpu.memory_space<vmem>>[vector<16xi32>, vector<16xi32>], vector<16xf32>,
    %add3A_353 = arith.addf %gather3A_352, %gather3A_351 : vector<16xf32>
    %ge3A_354 = arith.constant 0.000000e+00 : f32
    %ge3A_355 = vector.broadcast %ge3A_354 : f32 to vector<16xf32>
    %ge3A_356 = arith.cmpf oge, %add3A_353, %ge3A_355 : vector<16xf32>
    %mul3A_357 = arith.constant 2.000000e-01 : f32
    %mul3A_358 = vector.broadcast %mul3A_357 : f32 to vector<16xf32>
    %mul3A_359 = arith.mulf %mul3A_358, %add3A_353 : vector<16xf32>
    %select_n3A_360 = arith.select %ge3A_356, %add3A_353, %mul3A_359 : vector<16xi1>, vector<16xf32>
    %swap3A_361 = arith.constant 2 : i32
    %swap3A_362 = arith.index_cast %swap3A_361 : i32 to index
    %swap3A_363 = arith.constant 48 : index
    %swap3A_364 = tpu.vector_load %arg9[%swap3A_362, %swap3A_363] {strides = array<i32>} : memref<16x64xf32, #tpu.memory_space<vmem>>, vector<16xf32>,
    tpu.vector_store %arg9[%swap3A_362, %swap3A_363], %select_n3A_360 {strides = array<i32>} : memref<16x64xf32, #tpu.memory_space<vmem>>, vector<16xf32>,
    %broadcast_in_dim3A_365 = arith.constant 3 : i32
    %broadcast_in_dim3A_366 = vector.broadcast %broadcast_in_dim3A_365 : i32 to vector<16xi32>
    %get3A_367 = arith.constant 3 : i32
    %get3A_368 = arith.index_cast %get3A_367 : i32 to index
    %get3A_369 = arith.constant 0 : index
    %get3A_370 = tpu.vector_load %arg8[%get3A_368, %get3A_369] {strides = array<i32>} : memref<16x64xi32, #tpu.memory_space<vmem>>, vector<16xi32>,
    %add3A_371 = arith.addi %get3A_370, %get3A_370 : vector<16xi32>
    %add3A_372 = arith.constant 0 : i32
    %add3A_373 = vector.broadcast %add3A_372 : i32 to vector<16xi32>
    %add3A_374 = arith.addi %iota3A, %add3A_373 : vector<16xi32>
    %add3A_375 = arith.constant 1 : i32
    %add3A_376 = vector.broadcast %add3A_375 : i32 to vector<16xi32>
    %add3A_377 = arith.addi %add3A_371, %add3A_376 : vector<16xi32>
    %gather3A_378 = tpu.vector_load_idx %arg7[%add3A_374, %add3A_377] : memref<64x8xf32, #tpu.memory_space<vmem>>[vector<16xi32>, vector<16xi32>], vector<16xf32>,
    %gather3A_379 = tpu.vector_load_idx %arg6[%broadcast_in_dim3A_366, %add3A_371] : memref<16x8xf32, #tpu.memory_space<vmem>>[vector<16xi32>, vector<16xi32>], vector<16xf32>,
    %add3A_380 = arith.addf %gather3A_379, %gather3A_378 : vector<16xf32>
    %ge3A_381 = arith.constant 0.000000e+00 : f32
    %ge3A_382 = vector.broadcast %ge3A_381 : f32 to vector<16xf32>
    %ge3A_383 = arith.cmpf oge, %add3A_380, %ge3A_382 : vector<16xf32>
    %mul3A_384 = arith.constant 2.000000e-01 : f32
    %mul3A_385 = vector.broadcast %mul3A_384 : f32 to vector<16xf32>
    %mul3A_386 = arith.mulf %mul3A_385, %add3A_380 : vector<16xf32>
    %select_n3A_387 = arith.select %ge3A_383, %add3A_380, %mul3A_386 : vector<16xi1>, vector<16xf32>
    %swap3A_388 = arith.constant 3 : i32
    %swap3A_389 = arith.index_cast %swap3A_388 : i32 to index
    %swap3A_390 = arith.constant 0 : index
    %swap3A_391 = tpu.vector_load %arg9[%swap3A_389, %swap3A_390] {strides = array<i32>} : memref<16x64xf32, #tpu.memory_space<vmem>>, vector<16xf32>,
    tpu.vector_store %arg9[%swap3A_389, %swap3A_390], %select_n3A_387 {strides = array<i32>} : memref<16x64xf32, #tpu.memory_space<vmem>>, vector<16xf32>,
    %get3A_392 = arith.constant 3 : i32
    %get3A_393 = arith.index_cast %get3A_392 : i32 to index
    %get3A_394 = arith.constant 16 : index
    %get3A_395 = tpu.vector_load %arg8[%get3A_393, %get3A_394] {strides = array<i32>} : memref<16x64xi32, #tpu.memory_space<vmem>>, vector<16xi32>,
    %add3A_396 = arith.addi %get3A_395, %get3A_395 : vector<16xi32>
    %add3A_397 = arith.constant 16 : i32
    %add3A_398 = vector.broadcast %add3A_397 : i32 to vector<16xi32>
    %add3A_399 = arith.addi %iota3A, %add3A_398 : vector<16xi32>
    %add3A_400 = arith.constant 1 : i32
    %add3A_401 = vector.broadcast %add3A_400 : i32 to vector<16xi32>
    %add3A_402 = arith.addi %add3A_396, %add3A_401 : vector<16xi32>
    %gather3A_403 = tpu.vector_load_idx %arg7[%add3A_399, %add3A_402] : memref<64x8xf32, #tpu.memory_space<vmem>>[vector<16xi32>, vector<16xi32>], vector<16xf32>,
    %gather3A_404 = tpu.vector_load_idx %arg6[%broadcast_in_dim3A_366, %add3A_396] : memref<16x8xf32, #tpu.memory_space<vmem>>[vector<16xi32>, vector<16xi32>], vector<16xf32>,
    %add3A_405 = arith.addf %gather3A_404, %gather3A_403 : vector<16xf32>
    %ge3A_406 = arith.constant 0.000000e+00 : f32
    %ge3A_407 = vector.broadcast %ge3A_406 : f32 to vector<16xf32>
    %ge3A_408 = arith.cmpf oge, %add3A_405, %ge3A_407 : vector<16xf32>
    %mul3A_409 = arith.constant 2.000000e-01 : f32
    %mul3A_410 = vector.broadcast %mul3A_409 : f32 to vector<16xf32>
    %mul3A_411 = arith.mulf %mul3A_410, %add3A_405 : vector<16xf32>
    %select_n3A_412 = arith.select %ge3A_408, %add3A_405, %mul3A_411 : vector<16xi1>, vector<16xf32>
    %swap3A_413 = arith.constant 3 : i32
    %swap3A_414 = arith.index_cast %swap3A_413 : i32 to index
    %swap3A_415 = arith.constant 16 : index
    %swap3A_416 = tpu.vector_load %arg9[%swap3A_414, %swap3A_415] {strides = array<i32>} : memref<16x64xf32, #tpu.memory_space<vmem>>, vector<16xf32>,
    tpu.vector_store %arg9[%swap3A_414, %swap3A_415], %select_n3A_412 {strides = array<i32>} : memref<16x64xf32, #tpu.memory_space<vmem>>, vector<16xf32>,
    %get3A_417 = arith.constant 3 : i32
    %get3A_418 = arith.index_cast %get3A_417 : i32 to index
    %get3A_419 = arith.constant 32 : index
    %get3A_420 = tpu.vector_load %arg8[%get3A_418, %get3A_419] {strides = array<i32>} : memref<16x64xi32, #tpu.memory_space<vmem>>, vector<16xi32>,
    %add3A_421 = arith.addi %get3A_420, %get3A_420 : vector<16xi32>
    %add3A_422 = arith.constant 32 : i32
    %add3A_423 = vector.broadcast %add3A_422 : i32 to vector<16xi32>
    %add3A_424 = arith.addi %iota3A, %add3A_423 : vector<16xi32>
    %add3A_425 = arith.constant 1 : i32
    %add3A_426 = vector.broadcast %add3A_425 : i32 to vector<16xi32>
    %add3A_427 = arith.addi %add3A_421, %add3A_426 : vector<16xi32>
    %gather3A_428 = tpu.vector_load_idx %arg7[%add3A_424, %add3A_427] : memref<64x8xf32, #tpu.memory_space<vmem>>[vector<16xi32>, vector<16xi32>], vector<16xf32>,
    %gather3A_429 = tpu.vector_load_idx %arg6[%broadcast_in_dim3A_366, %add3A_421] : memref<16x8xf32, #tpu.memory_space<vmem>>[vector<16xi32>, vector<16xi32>], vector<16xf32>,
    %add3A_430 = arith.addf %gather3A_429, %gather3A_428 : vector<16xf32>
    %ge3A_431 = arith.constant 0.000000e+00 : f32
    %ge3A_432 = vector.broadcast %ge3A_431 : f32 to vector<16xf32>
    %ge3A_433 = arith.cmpf oge, %add3A_430, %ge3A_432 : vector<16xf32>
    %mul3A_434 = arith.constant 2.000000e-01 : f32
    %mul3A_435 = vector.broadcast %mul3A_434 : f32 to vector<16xf32>
    %mul3A_436 = arith.mulf %mul3A_435, %add3A_430 : vector<16xf32>
    %select_n3A_437 = arith.select %ge3A_433, %add3A_430, %mul3A_436 : vector<16xi1>, vector<16xf32>
    %swap3A_438 = arith.constant 3 : i32
    %swap3A_439 = arith.index_cast %swap3A_438 : i32 to index
    %swap3A_440 = arith.constant 32 : index
    %swap3A_441 = tpu.vector_load %arg9[%swap3A_439, %swap3A_440] {strides = array<i32>} : memref<16x64xf32, #tpu.memory_space<vmem>>, vector<16xf32>,
    tpu.vector_store %arg9[%swap3A_439, %swap3A_440], %select_n3A_437 {strides = array<i32>} : memref<16x64xf32, #tpu.memory_space<vmem>>, vector<16xf32>,
    %get3A_442 = arith.constant 3 : i32
    %get3A_443 = arith.index_cast %get3A_442 : i32 to index
    %get3A_444 = arith.constant 48 : index
    %get3A_445 = tpu.vector_load %arg8[%get3A_443, %get3A_444] {strides = array<i32>} : memref<16x64xi32, #tpu.memory_space<vmem>>, vector<16xi32>,
    %add3A_446 = arith.addi %get3A_445, %get3A_445 : vector<16xi32>
    %add3A_447 = arith.constant 48 : i32
    %add3A_448 = vector.broadcast %add3A_447 : i32 to vector<16xi32>
    %add3A_449 = arith.addi %iota3A, %add3A_448 : vector<16xi32>
    %add3A_450 = arith.constant 1 : i32
    %add3A_451 = vector.broadcast %add3A_450 : i32 to vector<16xi32>
    %add3A_452 = arith.addi %add3A_446, %add3A_451 : vector<16xi32>
    %gather3A_453 = tpu.vector_load_idx %arg7[%add3A_449, %add3A_452] : memref<64x8xf32, #tpu.memory_space<vmem>>[vector<16xi32>, vector<16xi32>], vector<16xf32>,
    %gather3A_454 = tpu.vector_load_idx %arg6[%broadcast_in_dim3A_366, %add3A_446] : memref<16x8xf32, #tpu.memory_space<vmem>>[vector<16xi32>, vector<16xi32>], vector<16xf32>,
    %add3A_455 = arith.addf %gather3A_454, %gather3A_453 : vector<16xf32>
    %ge3A_456 = arith.constant 0.000000e+00 : f32
    %ge3A_457 = vector.broadcast %ge3A_456 : f32 to vector<16xf32>
    %ge3A_458 = arith.cmpf oge, %add3A_455, %ge3A_457 : vector<16xf32>
    %mul3A_459 = arith.constant 2.000000e-01 : f32
    %mul3A_460 = vector.broadcast %mul3A_459 : f32 to vector<16xf32>
    %mul3A_461 = arith.mulf %mul3A_460, %add3A_455 : vector<16xf32>
    %select_n3A_462 = arith.select %ge3A_458, %add3A_455, %mul3A_461 : vector<16xi1>, vector<16xf32>
    %swap3A_463 = arith.constant 3 : i32
    %swap3A_464 = arith.index_cast %swap3A_463 : i32 to index
    %swap3A_465 = arith.constant 48 : index
    %swap3A_466 = tpu.vector_load %arg9[%swap3A_464, %swap3A_465] {strides = array<i32>} : memref<16x64xf32, #tpu.memory_space<vmem>>, vector<16xf32>,
    tpu.vector_store %arg9[%swap3A_464, %swap3A_465], %select_n3A_462 {strides = array<i32>} : memref<16x64xf32, #tpu.memory_space<vmem>>, vector<16xf32>,
    %broadcast_in_dim3A_467 = arith.constant 4 : i32
    %broadcast_in_dim3A_468 = vector.broadcast %broadcast_in_dim3A_467 : i32 to vector<16xi32>
    %get3A_469 = arith.constant 4 : i32
    %get3A_470 = arith.index_cast %get3A_469 : i32 to index
    %get3A_471 = arith.constant 0 : index
    %get3A_472 = tpu.vector_load %arg8[%get3A_470, %get3A_471] {strides = array<i32>} : memref<16x64xi32, #tpu.memory_space<vmem>>, vector<16xi32>,
    %add3A_473 = arith.addi %get3A_472, %get3A_472 : vector<16xi32>
    %add3A_474 = arith.constant 0 : i32
    %add3A_475 = vector.broadcast %add3A_474 : i32 to vector<16xi32>
    %add3A_476 = arith.addi %iota3A, %add3A_475 : vector<16xi32>
    %add3A_477 = arith.constant 1 : i32
    %add3A_478 = vector.broadcast %add3A_477 : i32 to vector<16xi32>
    %add3A_479 = arith.addi %add3A_473, %add3A_478 : vector<16xi32>
    %gather3A_480 = tpu.vector_load_idx %arg7[%add3A_476, %add3A_479] : memref<64x8xf32, #tpu.memory_space<vmem>>[vector<16xi32>, vector<16xi32>], vector<16xf32>,
    %gather3A_481 = tpu.vector_load_idx %arg6[%broadcast_in_dim3A_468, %add3A_473] : memref<16x8xf32, #tpu.memory_space<vmem>>[vector<16xi32>, vector<16xi32>], vector<16xf32>,
    %add3A_482 = arith.addf %gather3A_481, %gather3A_480 : vector<16xf32>
    %ge3A_483 = arith.constant 0.000000e+00 : f32
    %ge3A_484 = vector.broadcast %ge3A_483 : f32 to vector<16xf32>
    %ge3A_485 = arith.cmpf oge, %add3A_482, %ge3A_484 : vector<16xf32>
    %mul3A_486 = arith.constant 2.000000e-01 : f32
    %mul3A_487 = vector.broadcast %mul3A_486 : f32 to vector<16xf32>
    %mul3A_488 = arith.mulf %mul3A_487, %add3A_482 : vector<16xf32>
    %select_n3A_489 = arith.select %ge3A_485, %add3A_482, %mul3A_488 : vector<16xi1>, vector<16xf32>
    %swap3A_490 = arith.constant 4 : i32
    %swap3A_491 = arith.index_cast %swap3A_490 : i32 to index
    %swap3A_492 = arith.constant 0 : index
    %swap3A_493 = tpu.vector_load %arg9[%swap3A_491, %swap3A_492] {strides = array<i32>} : memref<16x64xf32, #tpu.memory_space<vmem>>, vector<16xf32>,
    tpu.vector_store %arg9[%swap3A_491, %swap3A_492], %select_n3A_489 {strides = array<i32>} : memref<16x64xf32, #tpu.memory_space<vmem>>, vector<16xf32>,
    %get3A_494 = arith.constant 4 : i32
    %get3A_495 = arith.index_cast %get3A_494 : i32 to index
    %get3A_496 = arith.constant 16 : index
    %get3A_497 = tpu.vector_load %arg8[%get3A_495, %get3A_496] {strides = array<i32>} : memref<16x64xi32, #tpu.memory_space<vmem>>, vector<16xi32>,
    %add3A_498 = arith.addi %get3A_497, %get3A_497 : vector<16xi32>
    %add3A_499 = arith.constant 16 : i32
    %add3A_500 = vector.broadcast %add3A_499 : i32 to vector<16xi32>
    %add3A_501 = arith.addi %iota3A, %add3A_500 : vector<16xi32>
    %add3A_502 = arith.constant 1 : i32
    %add3A_503 = vector.broadcast %add3A_502 : i32 to vector<16xi32>
    %add3A_504 = arith.addi %add3A_498, %add3A_503 : vector<16xi32>
    %gather3A_505 = tpu.vector_load_idx %arg7[%add3A_501, %add3A_504] : memref<64x8xf32, #tpu.memory_space<vmem>>[vector<16xi32>, vector<16xi32>], vector<16xf32>,
    %gather3A_506 = tpu.vector_load_idx %arg6[%broadcast_in_dim3A_468, %add3A_498] : memref<16x8xf32, #tpu.memory_space<vmem>>[vector<16xi32>, vector<16xi32>], vector<16xf32>,
    %add3A_507 = arith.addf %gather3A_506, %gather3A_505 : vector<16xf32>
    %ge3A_508 = arith.constant 0.000000e+00 : f32
    %ge3A_509 = vector.broadcast %ge3A_508 : f32 to vector<16xf32>
    %ge3A_510 = arith.cmpf oge, %add3A_507, %ge3A_509 : vector<16xf32>
    %mul3A_511 = arith.constant 2.000000e-01 : f32
    %mul3A_512 = vector.broadcast %mul3A_511 : f32 to vector<16xf32>
    %mul3A_513 = arith.mulf %mul3A_512, %add3A_507 : vector<16xf32>
    %select_n3A_514 = arith.select %ge3A_510, %add3A_507, %mul3A_513 : vector<16xi1>, vector<16xf32>
    %swap3A_515 = arith.constant 4 : i32
    %swap3A_516 = arith.index_cast %swap3A_515 : i32 to index
    %swap3A_517 = arith.constant 16 : index
    %swap3A_518 = tpu.vector_load %arg9[%swap3A_516, %swap3A_517] {strides = array<i32>} : memref<16x64xf32, #tpu.memory_space<vmem>>, vector<16xf32>,
    tpu.vector_store %arg9[%swap3A_516, %swap3A_517], %select_n3A_514 {strides = array<i32>} : memref<16x64xf32, #tpu.memory_space<vmem>>, vector<16xf32>,
    %get3A_519 = arith.constant 4 : i32
    %get3A_520 = arith.index_cast %get3A_519 : i32 to index
    %get3A_521 = arith.constant 32 : index
    %get3A_522 = tpu.vector_load %arg8[%get3A_520, %get3A_521] {strides = array<i32>} : memref<16x64xi32, #tpu.memory_space<vmem>>, vector<16xi32>,
    %add3A_523 = arith.addi %get3A_522, %get3A_522 : vector<16xi32>
    %add3A_524 = arith.constant 32 : i32
    %add3A_525 = vector.broadcast %add3A_524 : i32 to vector<16xi32>
    %add3A_526 = arith.addi %iota3A, %add3A_525 : vector<16xi32>
    %add3A_527 = arith.constant 1 : i32
    %add3A_528 = vector.broadcast %add3A_527 : i32 to vector<16xi32>
    %add3A_529 = arith.addi %add3A_523, %add3A_528 : vector<16xi32>
    %gather3A_530 = tpu.vector_load_idx %arg7[%add3A_526, %add3A_529] : memref<64x8xf32, #tpu.memory_space<vmem>>[vector<16xi32>, vector<16xi32>], vector<16xf32>,
    %gather3A_531 = tpu.vector_load_idx %arg6[%broadcast_in_dim3A_468, %add3A_523] : memref<16x8xf32, #tpu.memory_space<vmem>>[vector<16xi32>, vector<16xi32>], vector<16xf32>,
    %add3A_532 = arith.addf %gather3A_531, %gather3A_530 : vector<16xf32>
    %ge3A_533 = arith.constant 0.000000e+00 : f32
    %ge3A_534 = vector.broadcast %ge3A_533 : f32 to vector<16xf32>
    %ge3A_535 = arith.cmpf oge, %add3A_532, %ge3A_534 : vector<16xf32>
    %mul3A_536 = arith.constant 2.000000e-01 : f32
    %mul3A_537 = vector.broadcast %mul3A_536 : f32 to vector<16xf32>
    %mul3A_538 = arith.mulf %mul3A_537, %add3A_532 : vector<16xf32>
    %select_n3A_539 = arith.select %ge3A_535, %add3A_532, %mul3A_538 : vector<16xi1>, vector<16xf32>
    %swap3A_540 = arith.constant 4 : i32
    %swap3A_541 = arith.index_cast %swap3A_540 : i32 to index
    %swap3A_542 = arith.constant 32 : index
    %swap3A_543 = tpu.vector_load %arg9[%swap3A_541, %swap3A_542] {strides = array<i32>} : memref<16x64xf32, #tpu.memory_space<vmem>>, vector<16xf32>,
    tpu.vector_store %arg9[%swap3A_541, %swap3A_542], %select_n3A_539 {strides = array<i32>} : memref<16x64xf32, #tpu.memory_space<vmem>>, vector<16xf32>,
    %get3A_544 = arith.constant 4 : i32
    %get3A_545 = arith.index_cast %get3A_544 : i32 to index
    %get3A_546 = arith.constant 48 : index
    %get3A_547 = tpu.vector_load %arg8[%get3A_545, %get3A_546] {strides = array<i32>} : memref<16x64xi32, #tpu.memory_space<vmem>>, vector<16xi32>,
    %add3A_548 = arith.addi %get3A_547, %get3A_547 : vector<16xi32>
    %add3A_549 = arith.constant 48 : i32
    %add3A_550 = vector.broadcast %add3A_549 : i32 to vector<16xi32>
    %add3A_551 = arith.addi %iota3A, %add3A_550 : vector<16xi32>
    %add3A_552 = arith.constant 1 : i32
    %add3A_553 = vector.broadcast %add3A_552 : i32 to vector<16xi32>
    %add3A_554 = arith.addi %add3A_548, %add3A_553 : vector<16xi32>
    %gather3A_555 = tpu.vector_load_idx %arg7[%add3A_551, %add3A_554] : memref<64x8xf32, #tpu.memory_space<vmem>>[vector<16xi32>, vector<16xi32>], vector<16xf32>,
    %gather3A_556 = tpu.vector_load_idx %arg6[%broadcast_in_dim3A_468, %add3A_548] : memref<16x8xf32, #tpu.memory_space<vmem>>[vector<16xi32>, vector<16xi32>], vector<16xf32>,
    %add3A_557 = arith.addf %gather3A_556, %gather3A_555 : vector<16xf32>
    %ge3A_558 = arith.constant 0.000000e+00 : f32
    %ge3A_559 = vector.broadcast %ge3A_558 : f32 to vector<16xf32>
    %ge3A_560 = arith.cmpf oge, %add3A_557, %ge3A_559 : vector<16xf32>
    %mul3A_561 = arith.constant 2.000000e-01 : f32
    %mul3A_562 = vector.broadcast %mul3A_561 : f32 to vector<16xf32>
    %mul3A_563 = arith.mulf %mul3A_562, %add3A_557 : vector<16xf32>
    %select_n3A_564 = arith.select %ge3A_560, %add3A_557, %mul3A_563 : vector<16xi1>, vector<16xf32>
    %swap3A_565 = arith.constant 4 : i32
    %swap3A_566 = arith.index_cast %swap3A_565 : i32 to index
    %swap3A_567 = arith.constant 48 : index
    %swap3A_568 = tpu.vector_load %arg9[%swap3A_566, %swap3A_567] {strides = array<i32>} : memref<16x64xf32, #tpu.memory_space<vmem>>, vector<16xf32>,
    tpu.vector_store %arg9[%swap3A_566, %swap3A_567], %select_n3A_564 {strides = array<i32>} : memref<16x64xf32, #tpu.memory_space<vmem>>, vector<16xf32>,
    %broadcast_in_dim3A_569 = arith.constant 5 : i32
    %broadcast_in_dim3A_570 = vector.broadcast %broadcast_in_dim3A_569 : i32 to vector<16xi32>
    %get3A_571 = arith.constant 5 : i32
    %get3A_572 = arith.index_cast %get3A_571 : i32 to index
    %get3A_573 = arith.constant 0 : index
    %get3A_574 = tpu.vector_load %arg8[%get3A_572, %get3A_573] {strides = array<i32>} : memref<16x64xi32, #tpu.memory_space<vmem>>, vector<16xi32>,
    %add3A_575 = arith.addi %get3A_574, %get3A_574 : vector<16xi32>
    %add3A_576 = arith.constant 0 : i32
    %add3A_577 = vector.broadcast %add3A_576 : i32 to vector<16xi32>
    %add3A_578 = arith.addi %iota3A, %add3A_577 : vector<16xi32>
    %add3A_579 = arith.constant 1 : i32
    %add3A_580 = vector.broadcast %add3A_579 : i32 to vector<16xi32>
    %add3A_581 = arith.addi %add3A_575, %add3A_580 : vector<16xi32>
    %gather3A_582 = tpu.vector_load_idx %arg7[%add3A_578, %add3A_581] : memref<64x8xf32, #tpu.memory_space<vmem>>[vector<16xi32>, vector<16xi32>], vector<16xf32>,
    %gather3A_583 = tpu.vector_load_idx %arg6[%broadcast_in_dim3A_570, %add3A_575] : memref<16x8xf32, #tpu.memory_space<vmem>>[vector<16xi32>, vector<16xi32>], vector<16xf32>,
    %add3A_584 = arith.addf %gather3A_583, %gather3A_582 : vector<16xf32>
    %ge3A_585 = arith.constant 0.000000e+00 : f32
    %ge3A_586 = vector.broadcast %ge3A_585 : f32 to vector<16xf32>
    %ge3A_587 = arith.cmpf oge, %add3A_584, %ge3A_586 : vector<16xf32>
    %mul3A_588 = arith.constant 2.000000e-01 : f32
    %mul3A_589 = vector.broadcast %mul3A_588 : f32 to vector<16xf32>
    %mul3A_590 = arith.mulf %mul3A_589, %add3A_584 : vector<16xf32>
    %select_n3A_591 = arith.select %ge3A_587, %add3A_584, %mul3A_590 : vector<16xi1>, vector<16xf32>
    %swap3A_592 = arith.constant 5 : i32
    %swap3A_593 = arith.index_cast %swap3A_592 : i32 to index
    %swap3A_594 = arith.constant 0 : index
    %swap3A_595 = tpu.vector_load %arg9[%swap3A_593, %swap3A_594] {strides = array<i32>} : memref<16x64xf32, #tpu.memory_space<vmem>>, vector<16xf32>,
    tpu.vector_store %arg9[%swap3A_593, %swap3A_594], %select_n3A_591 {strides = array<i32>} : memref<16x64xf32, #tpu.memory_space<vmem>>, vector<16xf32>,
    %get3A_596 = arith.constant 5 : i32
    %get3A_597 = arith.index_cast %get3A_596 : i32 to index
    %get3A_598 = arith.constant 16 : index
    %get3A_599 = tpu.vector_load %arg8[%get3A_597, %get3A_598] {strides = array<i32>} : memref<16x64xi32, #tpu.memory_space<vmem>>, vector<16xi32>,
    %add3A_600 = arith.addi %get3A_599, %get3A_599 : vector<16xi32>
    %add3A_601 = arith.constant 16 : i32
    %add3A_602 = vector.broadcast %add3A_601 : i32 to vector<16xi32>
    %add3A_603 = arith.addi %iota3A, %add3A_602 : vector<16xi32>
    %add3A_604 = arith.constant 1 : i32
    %add3A_605 = vector.broadcast %add3A_604 : i32 to vector<16xi32>
    %add3A_606 = arith.addi %add3A_600, %add3A_605 : vector<16xi32>
    %gather3A_607 = tpu.vector_load_idx %arg7[%add3A_603, %add3A_606] : memref<64x8xf32, #tpu.memory_space<vmem>>[vector<16xi32>, vector<16xi32>], vector<16xf32>,
    %gather3A_608 = tpu.vector_load_idx %arg6[%broadcast_in_dim3A_570, %add3A_600] : memref<16x8xf32, #tpu.memory_space<vmem>>[vector<16xi32>, vector<16xi32>], vector<16xf32>,
    %add3A_609 = arith.addf %gather3A_608, %gather3A_607 : vector<16xf32>
    %ge3A_610 = arith.constant 0.000000e+00 : f32
    %ge3A_611 = vector.broadcast %ge3A_610 : f32 to vector<16xf32>
    %ge3A_612 = arith.cmpf oge, %add3A_609, %ge3A_611 : vector<16xf32>
    %mul3A_613 = arith.constant 2.000000e-01 : f32
    %mul3A_614 = vector.broadcast %mul3A_613 : f32 to vector<16xf32>
    %mul3A_615 = arith.mulf %mul3A_614, %add3A_609 : vector<16xf32>
    %select_n3A_616 = arith.select %ge3A_612, %add3A_609, %mul3A_615 : vector<16xi1>, vector<16xf32>
    %swap3A_617 = arith.constant 5 : i32
    %swap3A_618 = arith.index_cast %swap3A_617 : i32 to index
    %swap3A_619 = arith.constant 16 : index
    %swap3A_620 = tpu.vector_load %arg9[%swap3A_618, %swap3A_619] {strides = array<i32>} : memref<16x64xf32, #tpu.memory_space<vmem>>, vector<16xf32>,
    tpu.vector_store %arg9[%swap3A_618, %swap3A_619], %select_n3A_616 {strides = array<i32>} : memref<16x64xf32, #tpu.memory_space<vmem>>, vector<16xf32>,
    %get3A_621 = arith.constant 5 : i32
    %get3A_622 = arith.index_cast %get3A_621 : i32 to index
    %get3A_623 = arith.constant 32 : index
    %get3A_624 = tpu.vector_load %arg8[%get3A_622, %get3A_623] {strides = array<i32>} : memref<16x64xi32, #tpu.memory_space<vmem>>, vector<16xi32>,
    %add3A_625 = arith.addi %get3A_624, %get3A_624 : vector<16xi32>
    %add3A_626 = arith.constant 32 : i32
    %add3A_627 = vector.broadcast %add3A_626 : i32 to vector<16xi32>
    %add3A_628 = arith.addi %iota3A, %add3A_627 : vector<16xi32>
    %add3A_629 = arith.constant 1 : i32
    %add3A_630 = vector.broadcast %add3A_629 : i32 to vector<16xi32>
    %add3A_631 = arith.addi %add3A_625, %add3A_630 : vector<16xi32>
    %gather3A_632 = tpu.vector_load_idx %arg7[%add3A_628, %add3A_631] : memref<64x8xf32, #tpu.memory_space<vmem>>[vector<16xi32>, vector<16xi32>], vector<16xf32>,
    %gather3A_633 = tpu.vector_load_idx %arg6[%broadcast_in_dim3A_570, %add3A_625] : memref<16x8xf32, #tpu.memory_space<vmem>>[vector<16xi32>, vector<16xi32>], vector<16xf32>,
    %add3A_634 = arith.addf %gather3A_633, %gather3A_632 : vector<16xf32>
    %ge3A_635 = arith.constant 0.000000e+00 : f32
    %ge3A_636 = vector.broadcast %ge3A_635 : f32 to vector<16xf32>
    %ge3A_637 = arith.cmpf oge, %add3A_634, %ge3A_636 : vector<16xf32>
    %mul3A_638 = arith.constant 2.000000e-01 : f32
    %mul3A_639 = vector.broadcast %mul3A_638 : f32 to vector<16xf32>
    %mul3A_640 = arith.mulf %mul3A_639, %add3A_634 : vector<16xf32>
    %select_n3A_641 = arith.select %ge3A_637, %add3A_634, %mul3A_640 : vector<16xi1>, vector<16xf32>
    %swap3A_642 = arith.constant 5 : i32
    %swap3A_643 = arith.index_cast %swap3A_642 : i32 to index
    %swap3A_644 = arith.constant 32 : index
    %swap3A_645 = tpu.vector_load %arg9[%swap3A_643, %swap3A_644] {strides = array<i32>} : memref<16x64xf32, #tpu.memory_space<vmem>>, vector<16xf32>,
    tpu.vector_store %arg9[%swap3A_643, %swap3A_644], %select_n3A_641 {strides = array<i32>} : memref<16x64xf32, #tpu.memory_space<vmem>>, vector<16xf32>,
    %get3A_646 = arith.constant 5 : i32
    %get3A_647 = arith.index_cast %get3A_646 : i32 to index
    %get3A_648 = arith.constant 48 : index
    %get3A_649 = tpu.vector_load %arg8[%get3A_647, %get3A_648] {strides = array<i32>} : memref<16x64xi32, #tpu.memory_space<vmem>>, vector<16xi32>,
    %add3A_650 = arith.addi %get3A_649, %get3A_649 : vector<16xi32>
    %add3A_651 = arith.constant 48 : i32
    %add3A_652 = vector.broadcast %add3A_651 : i32 to vector<16xi32>
    %add3A_653 = arith.addi %iota3A, %add3A_652 : vector<16xi32>
    %add3A_654 = arith.constant 1 : i32
    %add3A_655 = vector.broadcast %add3A_654 : i32 to vector<16xi32>
    %add3A_656 = arith.addi %add3A_650, %add3A_655 : vector<16xi32>
    %gather3A_657 = tpu.vector_load_idx %arg7[%add3A_653, %add3A_656] : memref<64x8xf32, #tpu.memory_space<vmem>>[vector<16xi32>, vector<16xi32>], vector<16xf32>,
    %gather3A_658 = tpu.vector_load_idx %arg6[%broadcast_in_dim3A_570, %add3A_650] : memref<16x8xf32, #tpu.memory_space<vmem>>[vector<16xi32>, vector<16xi32>], vector<16xf32>,
    %add3A_659 = arith.addf %gather3A_658, %gather3A_657 : vector<16xf32>
    %ge3A_660 = arith.constant 0.000000e+00 : f32
    %ge3A_661 = vector.broadcast %ge3A_660 : f32 to vector<16xf32>
    %ge3A_662 = arith.cmpf oge, %add3A_659, %ge3A_661 : vector<16xf32>
    %mul3A_663 = arith.constant 2.000000e-01 : f32
    %mul3A_664 = vector.broadcast %mul3A_663 : f32 to vector<16xf32>
    %mul3A_665 = arith.mulf %mul3A_664, %add3A_659 : vector<16xf32>
    %select_n3A_666 = arith.select %ge3A_662, %add3A_659, %mul3A_665 : vector<16xi1>, vector<16xf32>
    %swap3A_667 = arith.constant 5 : i32
    %swap3A_668 = arith.index_cast %swap3A_667 : i32 to index
    %swap3A_669 = arith.constant 48 : index
    %swap3A_670 = tpu.vector_load %arg9[%swap3A_668, %swap3A_669] {strides = array<i32>} : memref<16x64xf32, #tpu.memory_space<vmem>>, vector<16xf32>,
    tpu.vector_store %arg9[%swap3A_668, %swap3A_669], %select_n3A_666 {strides = array<i32>} : memref<16x64xf32, #tpu.memory_space<vmem>>, vector<16xf32>,
    %broadcast_in_dim3A_671 = arith.constant 6 : i32
    %broadcast_in_dim3A_672 = vector.broadcast %broadcast_in_dim3A_671 : i32 to vector<16xi32>
    %get3A_673 = arith.constant 6 : i32
    %get3A_674 = arith.index_cast %get3A_673 : i32 to index
    %get3A_675 = arith.constant 0 : index
    %get3A_676 = tpu.vector_load %arg8[%get3A_674, %get3A_675] {strides = array<i32>} : memref<16x64xi32, #tpu.memory_space<vmem>>, vector<16xi32>,
    %add3A_677 = arith.addi %get3A_676, %get3A_676 : vector<16xi32>
    %add3A_678 = arith.constant 0 : i32
    %add3A_679 = vector.broadcast %add3A_678 : i32 to vector<16xi32>
    %add3A_680 = arith.addi %iota3A, %add3A_679 : vector<16xi32>
    %add3A_681 = arith.constant 1 : i32
    %add3A_682 = vector.broadcast %add3A_681 : i32 to vector<16xi32>
    %add3A_683 = arith.addi %add3A_677, %add3A_682 : vector<16xi32>
    %gather3A_684 = tpu.vector_load_idx %arg7[%add3A_680, %add3A_683] : memref<64x8xf32, #tpu.memory_space<vmem>>[vector<16xi32>, vector<16xi32>], vector<16xf32>,
    %gather3A_685 = tpu.vector_load_idx %arg6[%broadcast_in_dim3A_672, %add3A_677] : memref<16x8xf32, #tpu.memory_space<vmem>>[vector<16xi32>, vector<16xi32>], vector<16xf32>,
    %add3A_686 = arith.addf %gather3A_685, %gather3A_684 : vector<16xf32>
    %ge3A_687 = arith.constant 0.000000e+00 : f32
    %ge3A_688 = vector.broadcast %ge3A_687 : f32 to vector<16xf32>
    %ge3A_689 = arith.cmpf oge, %add3A_686, %ge3A_688 : vector<16xf32>
    %mul3A_690 = arith.constant 2.000000e-01 : f32
    %mul3A_691 = vector.broadcast %mul3A_690 : f32 to vector<16xf32>
    %mul3A_692 = arith.mulf %mul3A_691, %add3A_686 : vector<16xf32>
    %select_n3A_693 = arith.select %ge3A_689, %add3A_686, %mul3A_692 : vector<16xi1>, vector<16xf32>
    %swap3A_694 = arith.constant 6 : i32
    %swap3A_695 = arith.index_cast %swap3A_694 : i32 to index
    %swap3A_696 = arith.constant 0 : index
    %swap3A_697 = tpu.vector_load %arg9[%swap3A_695, %swap3A_696] {strides = array<i32>} : memref<16x64xf32, #tpu.memory_space<vmem>>, vector<16xf32>,
    tpu.vector_store %arg9[%swap3A_695, %swap3A_696], %select_n3A_693 {strides = array<i32>} : memref<16x64xf32, #tpu.memory_space<vmem>>, vector<16xf32>,
    %get3A_698 = arith.constant 6 : i32
    %get3A_699 = arith.index_cast %get3A_698 : i32 to index
    %get3A_700 = arith.constant 16 : index
    %get3A_701 = tpu.vector_load %arg8[%get3A_699, %get3A_700] {strides = array<i32>} : memref<16x64xi32, #tpu.memory_space<vmem>>, vector<16xi32>,
    %add3A_702 = arith.addi %get3A_701, %get3A_701 : vector<16xi32>
    %add3A_703 = arith.constant 16 : i32
    %add3A_704 = vector.broadcast %add3A_703 : i32 to vector<16xi32>
    %add3A_705 = arith.addi %iota3A, %add3A_704 : vector<16xi32>
    %add3A_706 = arith.constant 1 : i32
    %add3A_707 = vector.broadcast %add3A_706 : i32 to vector<16xi32>
    %add3A_708 = arith.addi %add3A_702, %add3A_707 : vector<16xi32>
    %gather3A_709 = tpu.vector_load_idx %arg7[%add3A_705, %add3A_708] : memref<64x8xf32, #tpu.memory_space<vmem>>[vector<16xi32>, vector<16xi32>], vector<16xf32>,
    %gather3A_710 = tpu.vector_load_idx %arg6[%broadcast_in_dim3A_672, %add3A_702] : memref<16x8xf32, #tpu.memory_space<vmem>>[vector<16xi32>, vector<16xi32>], vector<16xf32>,
    %add3A_711 = arith.addf %gather3A_710, %gather3A_709 : vector<16xf32>
    %ge3A_712 = arith.constant 0.000000e+00 : f32
    %ge3A_713 = vector.broadcast %ge3A_712 : f32 to vector<16xf32>
    %ge3A_714 = arith.cmpf oge, %add3A_711, %ge3A_713 : vector<16xf32>
    %mul3A_715 = arith.constant 2.000000e-01 : f32
    %mul3A_716 = vector.broadcast %mul3A_715 : f32 to vector<16xf32>
    %mul3A_717 = arith.mulf %mul3A_716, %add3A_711 : vector<16xf32>
    %select_n3A_718 = arith.select %ge3A_714, %add3A_711, %mul3A_717 : vector<16xi1>, vector<16xf32>
    %swap3A_719 = arith.constant 6 : i32
    %swap3A_720 = arith.index_cast %swap3A_719 : i32 to index
    %swap3A_721 = arith.constant 16 : index
    %swap3A_722 = tpu.vector_load %arg9[%swap3A_720, %swap3A_721] {strides = array<i32>} : memref<16x64xf32, #tpu.memory_space<vmem>>, vector<16xf32>,
    tpu.vector_store %arg9[%swap3A_720, %swap3A_721], %select_n3A_718 {strides = array<i32>} : memref<16x64xf32, #tpu.memory_space<vmem>>, vector<16xf32>,
    %get3A_723 = arith.constant 6 : i32
    %get3A_724 = arith.index_cast %get3A_723 : i32 to index
    %get3A_725 = arith.constant 32 : index
    %get3A_726 = tpu.vector_load %arg8[%get3A_724, %get3A_725] {strides = array<i32>} : memref<16x64xi32, #tpu.memory_space<vmem>>, vector<16xi32>,
    %add3A_727 = arith.addi %get3A_726, %get3A_726 : vector<16xi32>
    %add3A_728 = arith.constant 32 : i32
    %add3A_729 = vector.broadcast %add3A_728 : i32 to vector<16xi32>
    %add3A_730 = arith.addi %iota3A, %add3A_729 : vector<16xi32>
    %add3A_731 = arith.constant 1 : i32
    %add3A_732 = vector.broadcast %add3A_731 : i32 to vector<16xi32>
    %add3A_733 = arith.addi %add3A_727, %add3A_732 : vector<16xi32>
    %gather3A_734 = tpu.vector_load_idx %arg7[%add3A_730, %add3A_733] : memref<64x8xf32, #tpu.memory_space<vmem>>[vector<16xi32>, vector<16xi32>], vector<16xf32>,
    %gather3A_735 = tpu.vector_load_idx %arg6[%broadcast_in_dim3A_672, %add3A_727] : memref<16x8xf32, #tpu.memory_space<vmem>>[vector<16xi32>, vector<16xi32>], vector<16xf32>,
    %add3A_736 = arith.addf %gather3A_735, %gather3A_734 : vector<16xf32>
    %ge3A_737 = arith.constant 0.000000e+00 : f32
    %ge3A_738 = vector.broadcast %ge3A_737 : f32 to vector<16xf32>
    %ge3A_739 = arith.cmpf oge, %add3A_736, %ge3A_738 : vector<16xf32>
    %mul3A_740 = arith.constant 2.000000e-01 : f32
    %mul3A_741 = vector.broadcast %mul3A_740 : f32 to vector<16xf32>
    %mul3A_742 = arith.mulf %mul3A_741, %add3A_736 : vector<16xf32>
    %select_n3A_743 = arith.select %ge3A_739, %add3A_736, %mul3A_742 : vector<16xi1>, vector<16xf32>
    %swap3A_744 = arith.constant 6 : i32
    %swap3A_745 = arith.index_cast %swap3A_744 : i32 to index
    %swap3A_746 = arith.constant 32 : index
    %swap3A_747 = tpu.vector_load %arg9[%swap3A_745, %swap3A_746] {strides = array<i32>} : memref<16x64xf32, #tpu.memory_space<vmem>>, vector<16xf32>,
    tpu.vector_store %arg9[%swap3A_745, %swap3A_746], %select_n3A_743 {strides = array<i32>} : memref<16x64xf32, #tpu.memory_space<vmem>>, vector<16xf32>,
    %get3A_748 = arith.constant 6 : i32
    %get3A_749 = arith.index_cast %get3A_748 : i32 to index
    %get3A_750 = arith.constant 48 : index
    %get3A_751 = tpu.vector_load %arg8[%get3A_749, %get3A_750] {strides = array<i32>} : memref<16x64xi32, #tpu.memory_space<vmem>>, vector<16xi32>,
    %add3A_752 = arith.addi %get3A_751, %get3A_751 : vector<16xi32>
    %add3A_753 = arith.constant 48 : i32
    %add3A_754 = vector.broadcast %add3A_753 : i32 to vector<16xi32>
    %add3A_755 = arith.addi %iota3A, %add3A_754 : vector<16xi32>
    %add3A_756 = arith.constant 1 : i32
    %add3A_757 = vector.broadcast %add3A_756 : i32 to vector<16xi32>
    %add3A_758 = arith.addi %add3A_752, %add3A_757 : vector<16xi32>
    %gather3A_759 = tpu.vector_load_idx %arg7[%add3A_755, %add3A_758] : memref<64x8xf32, #tpu.memory_space<vmem>>[vector<16xi32>, vector<16xi32>], vector<16xf32>,
    %gather3A_760 = tpu.vector_load_idx %arg6[%broadcast_in_dim3A_672, %add3A_752] : memref<16x8xf32, #tpu.memory_space<vmem>>[vector<16xi32>, vector<16xi32>], vector<16xf32>,
    %add3A_761 = arith.addf %gather3A_760, %gather3A_759 : vector<16xf32>
    %ge3A_762 = arith.constant 0.000000e+00 : f32
    %ge3A_763 = vector.broadcast %ge3A_762 : f32 to vector<16xf32>
    %ge3A_764 = arith.cmpf oge, %add3A_761, %ge3A_763 : vector<16xf32>
    %mul3A_765 = arith.constant 2.000000e-01 : f32
    %mul3A_766 = vector.broadcast %mul3A_765 : f32 to vector<16xf32>
    %mul3A_767 = arith.mulf %mul3A_766, %add3A_761 : vector<16xf32>
    %select_n3A_768 = arith.select %ge3A_764, %add3A_761, %mul3A_767 : vector<16xi1>, vector<16xf32>
    %swap3A_769 = arith.constant 6 : i32
    %swap3A_770 = arith.index_cast %swap3A_769 : i32 to index
    %swap3A_771 = arith.constant 48 : index
    %swap3A_772 = tpu.vector_load %arg9[%swap3A_770, %swap3A_771] {strides = array<i32>} : memref<16x64xf32, #tpu.memory_space<vmem>>, vector<16xf32>,
    tpu.vector_store %arg9[%swap3A_770, %swap3A_771], %select_n3A_768 {strides = array<i32>} : memref<16x64xf32, #tpu.memory_space<vmem>>, vector<16xf32>,
    %broadcast_in_dim3A_773 = arith.constant 7 : i32
    %broadcast_in_dim3A_774 = vector.broadcast %broadcast_in_dim3A_773 : i32 to vector<16xi32>
    %get3A_775 = arith.constant 7 : i32
    %get3A_776 = arith.index_cast %get3A_775 : i32 to index
    %get3A_777 = arith.constant 0 : index
    %get3A_778 = tpu.vector_load %arg8[%get3A_776, %get3A_777] {strides = array<i32>} : memref<16x64xi32, #tpu.memory_space<vmem>>, vector<16xi32>,
    %add3A_779 = arith.addi %get3A_778, %get3A_778 : vector<16xi32>
    %add3A_780 = arith.constant 0 : i32
    %add3A_781 = vector.broadcast %add3A_780 : i32 to vector<16xi32>
    %add3A_782 = arith.addi %iota3A, %add3A_781 : vector<16xi32>
    %add3A_783 = arith.constant 1 : i32
    %add3A_784 = vector.broadcast %add3A_783 : i32 to vector<16xi32>
    %add3A_785 = arith.addi %add3A_779, %add3A_784 : vector<16xi32>
    %gather3A_786 = tpu.vector_load_idx %arg7[%add3A_782, %add3A_785] : memref<64x8xf32, #tpu.memory_space<vmem>>[vector<16xi32>, vector<16xi32>], vector<16xf32>,
    %gather3A_787 = tpu.vector_load_idx %arg6[%broadcast_in_dim3A_774, %add3A_779] : memref<16x8xf32, #tpu.memory_space<vmem>>[vector<16xi32>, vector<16xi32>], vector<16xf32>,
    %add3A_788 = arith.addf %gather3A_787, %gather3A_786 : vector<16xf32>
    %ge3A_789 = arith.constant 0.000000e+00 : f32
    %ge3A_790 = vector.broadcast %ge3A_789 : f32 to vector<16xf32>
    %ge3A_791 = arith.cmpf oge, %add3A_788, %ge3A_790 : vector<16xf32>
    %mul3A_792 = arith.constant 2.000000e-01 : f32
    %mul3A_793 = vector.broadcast %mul3A_792 : f32 to vector<16xf32>
    %mul3A_794 = arith.mulf %mul3A_793, %add3A_788 : vector<16xf32>
    %select_n3A_795 = arith.select %ge3A_791, %add3A_788, %mul3A_794 : vector<16xi1>, vector<16xf32>
    %swap3A_796 = arith.constant 7 : i32
    %swap3A_797 = arith.index_cast %swap3A_796 : i32 to index
    %swap3A_798 = arith.constant 0 : index
    %swap3A_799 = tpu.vector_load %arg9[%swap3A_797, %swap3A_798] {strides = array<i32>} : memref<16x64xf32, #tpu.memory_space<vmem>>, vector<16xf32>,
    tpu.vector_store %arg9[%swap3A_797, %swap3A_798], %select_n3A_795 {strides = array<i32>} : memref<16x64xf32, #tpu.memory_space<vmem>>, vector<16xf32>,
    %get3A_800 = arith.constant 7 : i32
    %get3A_801 = arith.index_cast %get3A_800 : i32 to index
    %get3A_802 = arith.constant 16 : index
    %get3A_803 = tpu.vector_load %arg8[%get3A_801, %get3A_802] {strides = array<i32>} : memref<16x64xi32, #tpu.memory_space<vmem>>, vector<16xi32>,
    %add3A_804 = arith.addi %get3A_803, %get3A_803 : vector<16xi32>
    %add3A_805 = arith.constant 16 : i32
    %add3A_806 = vector.broadcast %add3A_805 : i32 to vector<16xi32>
    %add3A_807 = arith.addi %iota3A, %add3A_806 : vector<16xi32>
    %add3A_808 = arith.constant 1 : i32
    %add3A_809 = vector.broadcast %add3A_808 : i32 to vector<16xi32>
    %add3A_810 = arith.addi %add3A_804, %add3A_809 : vector<16xi32>
    %gather3A_811 = tpu.vector_load_idx %arg7[%add3A_807, %add3A_810] : memref<64x8xf32, #tpu.memory_space<vmem>>[vector<16xi32>, vector<16xi32>], vector<16xf32>,
    %gather3A_812 = tpu.vector_load_idx %arg6[%broadcast_in_dim3A_774, %add3A_804] : memref<16x8xf32, #tpu.memory_space<vmem>>[vector<16xi32>, vector<16xi32>], vector<16xf32>,
    %add3A_813 = arith.addf %gather3A_812, %gather3A_811 : vector<16xf32>
    %ge3A_814 = arith.constant 0.000000e+00 : f32
    %ge3A_815 = vector.broadcast %ge3A_814 : f32 to vector<16xf32>
    %ge3A_816 = arith.cmpf oge, %add3A_813, %ge3A_815 : vector<16xf32>
    %mul3A_817 = arith.constant 2.000000e-01 : f32
    %mul3A_818 = vector.broadcast %mul3A_817 : f32 to vector<16xf32>
    %mul3A_819 = arith.mulf %mul3A_818, %add3A_813 : vector<16xf32>
    %select_n3A_820 = arith.select %ge3A_816, %add3A_813, %mul3A_819 : vector<16xi1>, vector<16xf32>
    %swap3A_821 = arith.constant 7 : i32
    %swap3A_822 = arith.index_cast %swap3A_821 : i32 to index
    %swap3A_823 = arith.constant 16 : index
    %swap3A_824 = tpu.vector_load %arg9[%swap3A_822, %swap3A_823] {strides = array<i32>} : memref<16x64xf32, #tpu.memory_space<vmem>>, vector<16xf32>,
    tpu.vector_store %arg9[%swap3A_822, %swap3A_823], %select_n3A_820 {strides = array<i32>} : memref<16x64xf32, #tpu.memory_space<vmem>>, vector<16xf32>,
    %get3A_825 = arith.constant 7 : i32
    %get3A_826 = arith.index_cast %get3A_825 : i32 to index
    %get3A_827 = arith.constant 32 : index
    %get3A_828 = tpu.vector_load %arg8[%get3A_826, %get3A_827] {strides = array<i32>} : memref<16x64xi32, #tpu.memory_space<vmem>>, vector<16xi32>,
    %add3A_829 = arith.addi %get3A_828, %get3A_828 : vector<16xi32>
    %add3A_830 = arith.constant 32 : i32
    %add3A_831 = vector.broadcast %add3A_830 : i32 to vector<16xi32>
    %add3A_832 = arith.addi %iota3A, %add3A_831 : vector<16xi32>
    %add3A_833 = arith.constant 1 : i32
    %add3A_834 = vector.broadcast %add3A_833 : i32 to vector<16xi32>
    %add3A_835 = arith.addi %add3A_829, %add3A_834 : vector<16xi32>
    %gather3A_836 = tpu.vector_load_idx %arg7[%add3A_832, %add3A_835] : memref<64x8xf32, #tpu.memory_space<vmem>>[vector<16xi32>, vector<16xi32>], vector<16xf32>,
    %gather3A_837 = tpu.vector_load_idx %arg6[%broadcast_in_dim3A_774, %add3A_829] : memref<16x8xf32, #tpu.memory_space<vmem>>[vector<16xi32>, vector<16xi32>], vector<16xf32>,
    %add3A_838 = arith.addf %gather3A_837, %gather3A_836 : vector<16xf32>
    %ge3A_839 = arith.constant 0.000000e+00 : f32
    %ge3A_840 = vector.broadcast %ge3A_839 : f32 to vector<16xf32>
    %ge3A_841 = arith.cmpf oge, %add3A_838, %ge3A_840 : vector<16xf32>
    %mul3A_842 = arith.constant 2.000000e-01 : f32
    %mul3A_843 = vector.broadcast %mul3A_842 : f32 to vector<16xf32>
    %mul3A_844 = arith.mulf %mul3A_843, %add3A_838 : vector<16xf32>
    %select_n3A_845 = arith.select %ge3A_841, %add3A_838, %mul3A_844 : vector<16xi1>, vector<16xf32>
    %swap3A_846 = arith.constant 7 : i32
    %swap3A_847 = arith.index_cast %swap3A_846 : i32 to index
    %swap3A_848 = arith.constant 32 : index
    %swap3A_849 = tpu.vector_load %arg9[%swap3A_847, %swap3A_848] {strides = array<i32>} : memref<16x64xf32, #tpu.memory_space<vmem>>, vector<16xf32>,
    tpu.vector_store %arg9[%swap3A_847, %swap3A_848], %select_n3A_845 {strides = array<i32>} : memref<16x64xf32, #tpu.memory_space<vmem>>, vector<16xf32>,
    %get3A_850 = arith.constant 7 : i32
    %get3A_851 = arith.index_cast %get3A_850 : i32 to index
    %get3A_852 = arith.constant 48 : index
    %get3A_853 = tpu.vector_load %arg8[%get3A_851, %get3A_852] {strides = array<i32>} : memref<16x64xi32, #tpu.memory_space<vmem>>, vector<16xi32>,
    %add3A_854 = arith.addi %get3A_853, %get3A_853 : vector<16xi32>
    %add3A_855 = arith.constant 48 : i32
    %add3A_856 = vector.broadcast %add3A_855 : i32 to vector<16xi32>
    %add3A_857 = arith.addi %iota3A, %add3A_856 : vector<16xi32>
    %add3A_858 = arith.constant 1 : i32
    %add3A_859 = vector.broadcast %add3A_858 : i32 to vector<16xi32>
    %add3A_860 = arith.addi %add3A_854, %add3A_859 : vector<16xi32>
    %gather3A_861 = tpu.vector_load_idx %arg7[%add3A_857, %add3A_860] : memref<64x8xf32, #tpu.memory_space<vmem>>[vector<16xi32>, vector<16xi32>], vector<16xf32>,
    %gather3A_862 = tpu.vector_load_idx %arg6[%broadcast_in_dim3A_774, %add3A_854] : memref<16x8xf32, #tpu.memory_space<vmem>>[vector<16xi32>, vector<16xi32>], vector<16xf32>,
    %add3A_863 = arith.addf %gather3A_862, %gather3A_861 : vector<16xf32>
    %ge3A_864 = arith.constant 0.000000e+00 : f32
    %ge3A_865 = vector.broadcast %ge3A_864 : f32 to vector<16xf32>
    %ge3A_866 = arith.cmpf oge, %add3A_863, %ge3A_865 : vector<16xf32>
    %mul3A_867 = arith.constant 2.000000e-01 : f32
    %mul3A_868 = vector.broadcast %mul3A_867 : f32 to vector<16xf32>
    %mul3A_869 = arith.mulf %mul3A_868, %add3A_863 : vector<16xf32>
    %select_n3A_870 = arith.select %ge3A_866, %add3A_863, %mul3A_869 : vector<16xi1>, vector<16xf32>
    %swap3A_871 = arith.constant 7 : i32
    %swap3A_872 = arith.index_cast %swap3A_871 : i32 to index
    %swap3A_873 = arith.constant 48 : index
    %swap3A_874 = tpu.vector_load %arg9[%swap3A_872, %swap3A_873] {strides = array<i32>} : memref<16x64xf32, #tpu.memory_space<vmem>>, vector<16xf32>,
    tpu.vector_store %arg9[%swap3A_872, %swap3A_873], %select_n3A_870 {strides = array<i32>} : memref<16x64xf32, #tpu.memory_space<vmem>>, vector<16xf32>,
    %broadcast_in_dim3A_875 = arith.constant 8 : i32
    %broadcast_in_dim3A_876 = vector.broadcast %broadcast_in_dim3A_875 : i32 to vector<16xi32>
    %get3A_877 = arith.constant 8 : i32
    %get3A_878 = arith.index_cast %get3A_877 : i32 to index
    %get3A_879 = arith.constant 0 : index
    %get3A_880 = tpu.vector_load %arg8[%get3A_878, %get3A_879] {strides = array<i32>} : memref<16x64xi32, #tpu.memory_space<vmem>>, vector<16xi32>,
    %add3A_881 = arith.addi %get3A_880, %get3A_880 : vector<16xi32>
    %add3A_882 = arith.constant 0 : i32
    %add3A_883 = vector.broadcast %add3A_882 : i32 to vector<16xi32>
    %add3A_884 = arith.addi %iota3A, %add3A_883 : vector<16xi32>
    %add3A_885 = arith.constant 1 : i32
    %add3A_886 = vector.broadcast %add3A_885 : i32 to vector<16xi32>
    %add3A_887 = arith.addi %add3A_881, %add3A_886 : vector<16xi32>
    %gather3A_888 = tpu.vector_load_idx %arg7[%add3A_884, %add3A_887] : memref<64x8xf32, #tpu.memory_space<vmem>>[vector<16xi32>, vector<16xi32>], vector<16xf32>,
    %gather3A_889 = tpu.vector_load_idx %arg6[%broadcast_in_dim3A_876, %add3A_881] : memref<16x8xf32, #tpu.memory_space<vmem>>[vector<16xi32>, vector<16xi32>], vector<16xf32>,
    %add3A_890 = arith.addf %gather3A_889, %gather3A_888 : vector<16xf32>
    %ge3A_891 = arith.constant 0.000000e+00 : f32
    %ge3A_892 = vector.broadcast %ge3A_891 : f32 to vector<16xf32>
    %ge3A_893 = arith.cmpf oge, %add3A_890, %ge3A_892 : vector<16xf32>
    %mul3A_894 = arith.constant 2.000000e-01 : f32
    %mul3A_895 = vector.broadcast %mul3A_894 : f32 to vector<16xf32>
    %mul3A_896 = arith.mulf %mul3A_895, %add3A_890 : vector<16xf32>
    %select_n3A_897 = arith.select %ge3A_893, %add3A_890, %mul3A_896 : vector<16xi1>, vector<16xf32>
    %swap3A_898 = arith.constant 8 : i32
    %swap3A_899 = arith.index_cast %swap3A_898 : i32 to index
    %swap3A_900 = arith.constant 0 : index
    %swap3A_901 = tpu.vector_load %arg9[%swap3A_899, %swap3A_900] {strides = array<i32>} : memref<16x64xf32, #tpu.memory_space<vmem>>, vector<16xf32>,
    tpu.vector_store %arg9[%swap3A_899, %swap3A_900], %select_n3A_897 {strides = array<i32>} : memref<16x64xf32, #tpu.memory_space<vmem>>, vector<16xf32>,
    %get3A_902 = arith.constant 8 : i32
    %get3A_903 = arith.index_cast %get3A_902 : i32 to index
    %get3A_904 = arith.constant 16 : index
    %get3A_905 = tpu.vector_load %arg8[%get3A_903, %get3A_904] {strides = array<i32>} : memref<16x64xi32, #tpu.memory_space<vmem>>, vector<16xi32>,
    %add3A_906 = arith.addi %get3A_905, %get3A_905 : vector<16xi32>
    %add3A_907 = arith.constant 16 : i32
    %add3A_908 = vector.broadcast %add3A_907 : i32 to vector<16xi32>
    %add3A_909 = arith.addi %iota3A, %add3A_908 : vector<16xi32>
    %add3A_910 = arith.constant 1 : i32
    %add3A_911 = vector.broadcast %add3A_910 : i32 to vector<16xi32>
    %add3A_912 = arith.addi %add3A_906, %add3A_911 : vector<16xi32>
    %gather3A_913 = tpu.vector_load_idx %arg7[%add3A_909, %add3A_912] : memref<64x8xf32, #tpu.memory_space<vmem>>[vector<16xi32>, vector<16xi32>], vector<16xf32>,
    %gather3A_914 = tpu.vector_load_idx %arg6[%broadcast_in_dim3A_876, %add3A_906] : memref<16x8xf32, #tpu.memory_space<vmem>>[vector<16xi32>, vector<16xi32>], vector<16xf32>,
    %add3A_915 = arith.addf %gather3A_914, %gather3A_913 : vector<16xf32>
    %ge3A_916 = arith.constant 0.000000e+00 : f32
    %ge3A_917 = vector.broadcast %ge3A_916 : f32 to vector<16xf32>
    %ge3A_918 = arith.cmpf oge, %add3A_915, %ge3A_917 : vector<16xf32>
    %mul3A_919 = arith.constant 2.000000e-01 : f32
    %mul3A_920 = vector.broadcast %mul3A_919 : f32 to vector<16xf32>
    %mul3A_921 = arith.mulf %mul3A_920, %add3A_915 : vector<16xf32>
    %select_n3A_922 = arith.select %ge3A_918, %add3A_915, %mul3A_921 : vector<16xi1>, vector<16xf32>
    %swap3A_923 = arith.constant 8 : i32
    %swap3A_924 = arith.index_cast %swap3A_923 : i32 to index
    %swap3A_925 = arith.constant 16 : index
    %swap3A_926 = tpu.vector_load %arg9[%swap3A_924, %swap3A_925] {strides = array<i32>} : memref<16x64xf32, #tpu.memory_space<vmem>>, vector<16xf32>,
    tpu.vector_store %arg9[%swap3A_924, %swap3A_925], %select_n3A_922 {strides = array<i32>} : memref<16x64xf32, #tpu.memory_space<vmem>>, vector<16xf32>,
    %get3A_927 = arith.constant 8 : i32
    %get3A_928 = arith.index_cast %get3A_927 : i32 to index
    %get3A_929 = arith.constant 32 : index
    %get3A_930 = tpu.vector_load %arg8[%get3A_928, %get3A_929] {strides = array<i32>} : memref<16x64xi32, #tpu.memory_space<vmem>>, vector<16xi32>,
    %add3A_931 = arith.addi %get3A_930, %get3A_930 : vector<16xi32>
    %add3A_932 = arith.constant 32 : i32
    %add3A_933 = vector.broadcast %add3A_932 : i32 to vector<16xi32>
    %add3A_934 = arith.addi %iota3A, %add3A_933 : vector<16xi32>
    %add3A_935 = arith.constant 1 : i32
    %add3A_936 = vector.broadcast %add3A_935 : i32 to vector<16xi32>
    %add3A_937 = arith.addi %add3A_931, %add3A_936 : vector<16xi32>
    %gather3A_938 = tpu.vector_load_idx %arg7[%add3A_934, %add3A_937] : memref<64x8xf32, #tpu.memory_space<vmem>>[vector<16xi32>, vector<16xi32>], vector<16xf32>,
    %gather3A_939 = tpu.vector_load_idx %arg6[%broadcast_in_dim3A_876, %add3A_931] : memref<16x8xf32, #tpu.memory_space<vmem>>[vector<16xi32>, vector<16xi32>], vector<16xf32>,
    %add3A_940 = arith.addf %gather3A_939, %gather3A_938 : vector<16xf32>
    %ge3A_941 = arith.constant 0.000000e+00 : f32
    %ge3A_942 = vector.broadcast %ge3A_941 : f32 to vector<16xf32>
    %ge3A_943 = arith.cmpf oge, %add3A_940, %ge3A_942 : vector<16xf32>
    %mul3A_944 = arith.constant 2.000000e-01 : f32
    %mul3A_945 = vector.broadcast %mul3A_944 : f32 to vector<16xf32>
    %mul3A_946 = arith.mulf %mul3A_945, %add3A_940 : vector<16xf32>
    %select_n3A_947 = arith.select %ge3A_943, %add3A_940, %mul3A_946 : vector<16xi1>, vector<16xf32>
    %swap3A_948 = arith.constant 8 : i32
    %swap3A_949 = arith.index_cast %swap3A_948 : i32 to index
    %swap3A_950 = arith.constant 32 : index
    %swap3A_951 = tpu.vector_load %arg9[%swap3A_949, %swap3A_950] {strides = array<i32>} : memref<16x64xf32, #tpu.memory_space<vmem>>, vector<16xf32>,
    tpu.vector_store %arg9[%swap3A_949, %swap3A_950], %select_n3A_947 {strides = array<i32>} : memref<16x64xf32, #tpu.memory_space<vmem>>, vector<16xf32>,
    %get3A_952 = arith.constant 8 : i32
    %get3A_953 = arith.index_cast %get3A_952 : i32 to index
    %get3A_954 = arith.constant 48 : index
    %get3A_955 = tpu.vector_load %arg8[%get3A_953, %get3A_954] {strides = array<i32>} : memref<16x64xi32, #tpu.memory_space<vmem>>, vector<16xi32>,
    %add3A_956 = arith.addi %get3A_955, %get3A_955 : vector<16xi32>
    %add3A_957 = arith.constant 48 : i32
    %add3A_958 = vector.broadcast %add3A_957 : i32 to vector<16xi32>
    %add3A_959 = arith.addi %iota3A, %add3A_958 : vector<16xi32>
    %add3A_960 = arith.constant 1 : i32
    %add3A_961 = vector.broadcast %add3A_960 : i32 to vector<16xi32>
    %add3A_962 = arith.addi %add3A_956, %add3A_961 : vector<16xi32>
    %gather3A_963 = tpu.vector_load_idx %arg7[%add3A_959, %add3A_962] : memref<64x8xf32, #tpu.memory_space<vmem>>[vector<16xi32>, vector<16xi32>], vector<16xf32>,
    %gather3A_964 = tpu.vector_load_idx %arg6[%broadcast_in_dim3A_876, %add3A_956] : memref<16x8xf32, #tpu.memory_space<vmem>>[vector<16xi32>, vector<16xi32>], vector<16xf32>,
    %add3A_965 = arith.addf %gather3A_964, %gather3A_963 : vector<16xf32>
    %ge3A_966 = arith.constant 0.000000e+00 : f32
    %ge3A_967 = vector.broadcast %ge3A_966 : f32 to vector<16xf32>
    %ge3A_968 = arith.cmpf oge, %add3A_965, %ge3A_967 : vector<16xf32>
    %mul3A_969 = arith.constant 2.000000e-01 : f32
    %mul3A_970 = vector.broadcast %mul3A_969 : f32 to vector<16xf32>
    %mul3A_971 = arith.mulf %mul3A_970, %add3A_965 : vector<16xf32>
    %select_n3A_972 = arith.select %ge3A_968, %add3A_965, %mul3A_971 : vector<16xi1>, vector<16xf32>
    %swap3A_973 = arith.constant 8 : i32
    %swap3A_974 = arith.index_cast %swap3A_973 : i32 to index
    %swap3A_975 = arith.constant 48 : index
    %swap3A_976 = tpu.vector_load %arg9[%swap3A_974, %swap3A_975] {strides = array<i32>} : memref<16x64xf32, #tpu.memory_space<vmem>>, vector<16xf32>,
    tpu.vector_store %arg9[%swap3A_974, %swap3A_975], %select_n3A_972 {strides = array<i32>} : memref<16x64xf32, #tpu.memory_space<vmem>>, vector<16xf32>,
    %broadcast_in_dim3A_977 = arith.constant 9 : i32
    %broadcast_in_dim3A_978 = vector.broadcast %broadcast_in_dim3A_977 : i32 to vector<16xi32>
    %get3A_979 = arith.constant 9 : i32
    %get3A_980 = arith.index_cast %get3A_979 : i32 to index
    %get3A_981 = arith.constant 0 : index
    %get3A_982 = tpu.vector_load %arg8[%get3A_980, %get3A_981] {strides = array<i32>} : memref<16x64xi32, #tpu.memory_space<vmem>>, vector<16xi32>,
    %add3A_983 = arith.addi %get3A_982, %get3A_982 : vector<16xi32>
    %add3A_984 = arith.constant 0 : i32
    %add3A_985 = vector.broadcast %add3A_984 : i32 to vector<16xi32>
    %add3A_986 = arith.addi %iota3A, %add3A_985 : vector<16xi32>
    %add3A_987 = arith.constant 1 : i32
    %add3A_988 = vector.broadcast %add3A_987 : i32 to vector<16xi32>
    %add3A_989 = arith.addi %add3A_983, %add3A_988 : vector<16xi32>
    %gather3A_990 = tpu.vector_load_idx %arg7[%add3A_986, %add3A_989] : memref<64x8xf32, #tpu.memory_space<vmem>>[vector<16xi32>, vector<16xi32>], vector<16xf32>,
    %gather3A_991 = tpu.vector_load_idx %arg6[%broadcast_in_dim3A_978, %add3A_983] : memref<16x8xf32, #tpu.memory_space<vmem>>[vector<16xi32>, vector<16xi32>], vector<16xf32>,
    %add3A_992 = arith.addf %gather3A_991, %gather3A_990 : vector<16xf32>
    %ge3A_993 = arith.constant 0.000000e+00 : f32
    %ge3A_994 = vector.broadcast %ge3A_993 : f32 to vector<16xf32>
    %ge3A_995 = arith.cmpf oge, %add3A_992, %ge3A_994 : vector<16xf32>
    %mul3A_996 = arith.constant 2.000000e-01 : f32
    %mul3A_997 = vector.broadcast %mul3A_996 : f32 to vector<16xf32>
    %mul3A_998 = arith.mulf %mul3A_997, %add3A_992 : vector<16xf32>
    %select_n3A_999 = arith.select %ge3A_995, %add3A_992, %mul3A_998 : vector<16xi1>, vector<16xf32>
    %swap3A_1000 = arith.constant 9 : i32
    %swap3A_1001 = arith.index_cast %swap3A_1000 : i32 to index
    %swap3A_1002 = arith.constant 0 : index
    %swap3A_1003 = tpu.vector_load %arg9[%swap3A_1001, %swap3A_1002] {strides = array<i32>} : memref<16x64xf32, #tpu.memory_space<vmem>>, vector<16xf32>,
    tpu.vector_store %arg9[%swap3A_1001, %swap3A_1002], %select_n3A_999 {strides = array<i32>} : memref<16x64xf32, #tpu.memory_space<vmem>>, vector<16xf32>,
    %get3A_1004 = arith.constant 9 : i32
    %get3A_1005 = arith.index_cast %get3A_1004 : i32 to index
    %get3A_1006 = arith.constant 16 : index
    %get3A_1007 = tpu.vector_load %arg8[%get3A_1005, %get3A_1006] {strides = array<i32>} : memref<16x64xi32, #tpu.memory_space<vmem>>, vector<16xi32>,
    %add3A_1008 = arith.addi %get3A_1007, %get3A_1007 : vector<16xi32>
    %add3A_1009 = arith.constant 16 : i32
    %add3A_1010 = vector.broadcast %add3A_1009 : i32 to vector<16xi32>
    %add3A_1011 = arith.addi %iota3A, %add3A_1010 : vector<16xi32>
    %add3A_1012 = arith.constant 1 : i32
    %add3A_1013 = vector.broadcast %add3A_1012 : i32 to vector<16xi32>
    %add3A_1014 = arith.addi %add3A_1008, %add3A_1013 : vector<16xi32>
    %gather3A_1015 = tpu.vector_load_idx %arg7[%add3A_1011, %add3A_1014] : memref<64x8xf32, #tpu.memory_space<vmem>>[vector<16xi32>, vector<16xi32>], vector<16xf32>,
    %gather3A_1016 = tpu.vector_load_idx %arg6[%broadcast_in_dim3A_978, %add3A_1008] : memref<16x8xf32, #tpu.memory_space<vmem>>[vector<16xi32>, vector<16xi32>], vector<16xf32>,
    %add3A_1017 = arith.addf %gather3A_1016, %gather3A_1015 : vector<16xf32>
    %ge3A_1018 = arith.constant 0.000000e+00 : f32
    %ge3A_1019 = vector.broadcast %ge3A_1018 : f32 to vector<16xf32>
    %ge3A_1020 = arith.cmpf oge, %add3A_1017, %ge3A_1019 : vector<16xf32>
    %mul3A_1021 = arith.constant 2.000000e-01 : f32
    %mul3A_1022 = vector.broadcast %mul3A_1021 : f32 to vector<16xf32>
    %mul3A_1023 = arith.mulf %mul3A_1022, %add3A_1017 : vector<16xf32>
    %select_n3A_1024 = arith.select %ge3A_1020, %add3A_1017, %mul3A_1023 : vector<16xi1>, vector<16xf32>
    %swap3A_1025 = arith.constant 9 : i32
    %swap3A_1026 = arith.index_cast %swap3A_1025 : i32 to index
    %swap3A_1027 = arith.constant 16 : index
    %swap3A_1028 = tpu.vector_load %arg9[%swap3A_1026, %swap3A_1027] {strides = array<i32>} : memref<16x64xf32, #tpu.memory_space<vmem>>, vector<16xf32>,
    tpu.vector_store %arg9[%swap3A_1026, %swap3A_1027], %select_n3A_1024 {strides = array<i32>} : memref<16x64xf32, #tpu.memory_space<vmem>>, vector<16xf32>,
    %get3A_1029 = arith.constant 9 : i32
    %get3A_1030 = arith.index_cast %get3A_1029 : i32 to index
    %get3A_1031 = arith.constant 32 : index
    %get3A_1032 = tpu.vector_load %arg8[%get3A_1030, %get3A_1031] {strides = array<i32>} : memref<16x64xi32, #tpu.memory_space<vmem>>, vector<16xi32>,
    %add3A_1033 = arith.addi %get3A_1032, %get3A_1032 : vector<16xi32>
    %add3A_1034 = arith.constant 32 : i32
    %add3A_1035 = vector.broadcast %add3A_1034 : i32 to vector<16xi32>
    %add3A_1036 = arith.addi %iota3A, %add3A_1035 : vector<16xi32>
    %add3A_1037 = arith.constant 1 : i32
    %add3A_1038 = vector.broadcast %add3A_1037 : i32 to vector<16xi32>
    %add3A_1039 = arith.addi %add3A_1033, %add3A_1038 : vector<16xi32>
    %gather3A_1040 = tpu.vector_load_idx %arg7[%add3A_1036, %add3A_1039] : memref<64x8xf32, #tpu.memory_space<vmem>>[vector<16xi32>, vector<16xi32>], vector<16xf32>,
    %gather3A_1041 = tpu.vector_load_idx %arg6[%broadcast_in_dim3A_978, %add3A_1033] : memref<16x8xf32, #tpu.memory_space<vmem>>[vector<16xi32>, vector<16xi32>], vector<16xf32>,
    %add3A_1042 = arith.addf %gather3A_1041, %gather3A_1040 : vector<16xf32>
    %ge3A_1043 = arith.constant 0.000000e+00 : f32
    %ge3A_1044 = vector.broadcast %ge3A_1043 : f32 to vector<16xf32>
    %ge3A_1045 = arith.cmpf oge, %add3A_1042, %ge3A_1044 : vector<16xf32>
    %mul3A_1046 = arith.constant 2.000000e-01 : f32
    %mul3A_1047 = vector.broadcast %mul3A_1046 : f32 to vector<16xf32>
    %mul3A_1048 = arith.mulf %mul3A_1047, %add3A_1042 : vector<16xf32>
    %select_n3A_1049 = arith.select %ge3A_1045, %add3A_1042, %mul3A_1048 : vector<16xi1>, vector<16xf32>
    %swap3A_1050 = arith.constant 9 : i32
    %swap3A_1051 = arith.index_cast %swap3A_1050 : i32 to index
    %swap3A_1052 = arith.constant 32 : index
    %swap3A_1053 = tpu.vector_load %arg9[%swap3A_1051, %swap3A_1052] {strides = array<i32>} : memref<16x64xf32, #tpu.memory_space<vmem>>, vector<16xf32>,
    tpu.vector_store %arg9[%swap3A_1051, %swap3A_1052], %select_n3A_1049 {strides = array<i32>} : memref<16x64xf32, #tpu.memory_space<vmem>>, vector<16xf32>,
    %get3A_1054 = arith.constant 9 : i32
    %get3A_1055 = arith.index_cast %get3A_1054 : i32 to index
    %get3A_1056 = arith.constant 48 : index
    %get3A_1057 = tpu.vector_load %arg8[%get3A_1055, %get3A_1056] {strides = array<i32>} : memref<16x64xi32, #tpu.memory_space<vmem>>, vector<16xi32>,
    %add3A_1058 = arith.addi %get3A_1057, %get3A_1057 : vector<16xi32>
    %add3A_1059 = arith.constant 48 : i32
    %add3A_1060 = vector.broadcast %add3A_1059 : i32 to vector<16xi32>
    %add3A_1061 = arith.addi %iota3A, %add3A_1060 : vector<16xi32>
    %add3A_1062 = arith.constant 1 : i32
    %add3A_1063 = vector.broadcast %add3A_1062 : i32 to vector<16xi32>
    %add3A_1064 = arith.addi %add3A_1058, %add3A_1063 : vector<16xi32>
    %gather3A_1065 = tpu.vector_load_idx %arg7[%add3A_1061, %add3A_1064] : memref<64x8xf32, #tpu.memory_space<vmem>>[vector<16xi32>, vector<16xi32>], vector<16xf32>,
    %gather3A_1066 = tpu.vector_load_idx %arg6[%broadcast_in_dim3A_978, %add3A_1058] : memref<16x8xf32, #tpu.memory_space<vmem>>[vector<16xi32>, vector<16xi32>], vector<16xf32>,
    %add3A_1067 = arith.addf %gather3A_1066, %gather3A_1065 : vector<16xf32>
    %ge3A_1068 = arith.constant 0.000000e+00 : f32
    %ge3A_1069 = vector.broadcast %ge3A_1068 : f32 to vector<16xf32>
    %ge3A_1070 = arith.cmpf oge, %add3A_1067, %ge3A_1069 : vector<16xf32>
    %mul3A_1071 = arith.constant 2.000000e-01 : f32
    %mul3A_1072 = vector.broadcast %mul3A_1071 : f32 to vector<16xf32>
    %mul3A_1073 = arith.mulf %mul3A_1072, %add3A_1067 : vector<16xf32>
    %select_n3A_1074 = arith.select %ge3A_1070, %add3A_1067, %mul3A_1073 : vector<16xi1>, vector<16xf32>
    %swap3A_1075 = arith.constant 9 : i32
    %swap3A_1076 = arith.index_cast %swap3A_1075 : i32 to index
    %swap3A_1077 = arith.constant 48 : index
    %swap3A_1078 = tpu.vector_load %arg9[%swap3A_1076, %swap3A_1077] {strides = array<i32>} : memref<16x64xf32, #tpu.memory_space<vmem>>, vector<16xf32>,
    tpu.vector_store %arg9[%swap3A_1076, %swap3A_1077], %select_n3A_1074 {strides = array<i32>} : memref<16x64xf32, #tpu.memory_space<vmem>>, vector<16xf32>,
    %broadcast_in_dim3A_1079 = arith.constant 10 : i32
    %broadcast_in_dim3A_1080 = vector.broadcast %broadcast_in_dim3A_1079 : i32 to vector<16xi32>
    %get3A_1081 = arith.constant 10 : i32
    %get3A_1082 = arith.index_cast %get3A_1081 : i32 to index
    %get3A_1083 = arith.constant 0 : index
    %get3A_1084 = tpu.vector_load %arg8[%get3A_1082, %get3A_1083] {strides = array<i32>} : memref<16x64xi32, #tpu.memory_space<vmem>>, vector<16xi32>,
    %add3A_1085 = arith.addi %get3A_1084, %get3A_1084 : vector<16xi32>
    %add3A_1086 = arith.constant 0 : i32
    %add3A_1087 = vector.broadcast %add3A_1086 : i32 to vector<16xi32>
    %add3A_1088 = arith.addi %iota3A, %add3A_1087 : vector<16xi32>
    %add3A_1089 = arith.constant 1 : i32
    %add3A_1090 = vector.broadcast %add3A_1089 : i32 to vector<16xi32>
    %add3A_1091 = arith.addi %add3A_1085, %add3A_1090 : vector<16xi32>
    %gather3A_1092 = tpu.vector_load_idx %arg7[%add3A_1088, %add3A_1091] : memref<64x8xf32, #tpu.memory_space<vmem>>[vector<16xi32>, vector<16xi32>], vector<16xf32>,
    %gather3A_1093 = tpu.vector_load_idx %arg6[%broadcast_in_dim3A_1080, %add3A_1085] : memref<16x8xf32, #tpu.memory_space<vmem>>[vector<16xi32>, vector<16xi32>], vector<16xf32>,
    %add3A_1094 = arith.addf %gather3A_1093, %gather3A_1092 : vector<16xf32>
    %ge3A_1095 = arith.constant 0.000000e+00 : f32
    %ge3A_1096 = vector.broadcast %ge3A_1095 : f32 to vector<16xf32>
    %ge3A_1097 = arith.cmpf oge, %add3A_1094, %ge3A_1096 : vector<16xf32>
    %mul3A_1098 = arith.constant 2.000000e-01 : f32
    %mul3A_1099 = vector.broadcast %mul3A_1098 : f32 to vector<16xf32>
    %mul3A_1100 = arith.mulf %mul3A_1099, %add3A_1094 : vector<16xf32>
    %select_n3A_1101 = arith.select %ge3A_1097, %add3A_1094, %mul3A_1100 : vector<16xi1>, vector<16xf32>
    %swap3A_1102 = arith.constant 10 : i32
    %swap3A_1103 = arith.index_cast %swap3A_1102 : i32 to index
    %swap3A_1104 = arith.constant 0 : index
    %swap3A_1105 = tpu.vector_load %arg9[%swap3A_1103, %swap3A_1104] {strides = array<i32>} : memref<16x64xf32, #tpu.memory_space<vmem>>, vector<16xf32>,
    tpu.vector_store %arg9[%swap3A_1103, %swap3A_1104], %select_n3A_1101 {strides = array<i32>} : memref<16x64xf32, #tpu.memory_space<vmem>>, vector<16xf32>,
    %get3A_1106 = arith.constant 10 : i32
    %get3A_1107 = arith.index_cast %get3A_1106 : i32 to index
    %get3A_1108 = arith.constant 16 : index
    %get3A_1109 = tpu.vector_load %arg8[%get3A_1107, %get3A_1108] {strides = array<i32>} : memref<16x64xi32, #tpu.memory_space<vmem>>, vector<16xi32>,
    %add3A_1110 = arith.addi %get3A_1109, %get3A_1109 : vector<16xi32>
    %add3A_1111 = arith.constant 16 : i32
    %add3A_1112 = vector.broadcast %add3A_1111 : i32 to vector<16xi32>
    %add3A_1113 = arith.addi %iota3A, %add3A_1112 : vector<16xi32>
    %add3A_1114 = arith.constant 1 : i32
    %add3A_1115 = vector.broadcast %add3A_1114 : i32 to vector<16xi32>
    %add3A_1116 = arith.addi %add3A_1110, %add3A_1115 : vector<16xi32>
    %gather3A_1117 = tpu.vector_load_idx %arg7[%add3A_1113, %add3A_1116] : memref<64x8xf32, #tpu.memory_space<vmem>>[vector<16xi32>, vector<16xi32>], vector<16xf32>,
    %gather3A_1118 = tpu.vector_load_idx %arg6[%broadcast_in_dim3A_1080, %add3A_1110] : memref<16x8xf32, #tpu.memory_space<vmem>>[vector<16xi32>, vector<16xi32>], vector<16xf32>,
    %add3A_1119 = arith.addf %gather3A_1118, %gather3A_1117 : vector<16xf32>
    %ge3A_1120 = arith.constant 0.000000e+00 : f32
    %ge3A_1121 = vector.broadcast %ge3A_1120 : f32 to vector<16xf32>
    %ge3A_1122 = arith.cmpf oge, %add3A_1119, %ge3A_1121 : vector<16xf32>
    %mul3A_1123 = arith.constant 2.000000e-01 : f32
    %mul3A_1124 = vector.broadcast %mul3A_1123 : f32 to vector<16xf32>
    %mul3A_1125 = arith.mulf %mul3A_1124, %add3A_1119 : vector<16xf32>
    %select_n3A_1126 = arith.select %ge3A_1122, %add3A_1119, %mul3A_1125 : vector<16xi1>, vector<16xf32>
    %swap3A_1127 = arith.constant 10 : i32
    %swap3A_1128 = arith.index_cast %swap3A_1127 : i32 to index
    %swap3A_1129 = arith.constant 16 : index
    %swap3A_1130 = tpu.vector_load %arg9[%swap3A_1128, %swap3A_1129] {strides = array<i32>} : memref<16x64xf32, #tpu.memory_space<vmem>>, vector<16xf32>,
    tpu.vector_store %arg9[%swap3A_1128, %swap3A_1129], %select_n3A_1126 {strides = array<i32>} : memref<16x64xf32, #tpu.memory_space<vmem>>, vector<16xf32>,
    %get3A_1131 = arith.constant 10 : i32
    %get3A_1132 = arith.index_cast %get3A_1131 : i32 to index
    %get3A_1133 = arith.constant 32 : index
    %get3A_1134 = tpu.vector_load %arg8[%get3A_1132, %get3A_1133] {strides = array<i32>} : memref<16x64xi32, #tpu.memory_space<vmem>>, vector<16xi32>,
    %add3A_1135 = arith.addi %get3A_1134, %get3A_1134 : vector<16xi32>
    %add3A_1136 = arith.constant 32 : i32
    %add3A_1137 = vector.broadcast %add3A_1136 : i32 to vector<16xi32>
    %add3A_1138 = arith.addi %iota3A, %add3A_1137 : vector<16xi32>
    %add3A_1139 = arith.constant 1 : i32
    %add3A_1140 = vector.broadcast %add3A_1139 : i32 to vector<16xi32>
    %add3A_1141 = arith.addi %add3A_1135, %add3A_1140 : vector<16xi32>
    %gather3A_1142 = tpu.vector_load_idx %arg7[%add3A_1138, %add3A_1141] : memref<64x8xf32, #tpu.memory_space<vmem>>[vector<16xi32>, vector<16xi32>], vector<16xf32>,
    %gather3A_1143 = tpu.vector_load_idx %arg6[%broadcast_in_dim3A_1080, %add3A_1135] : memref<16x8xf32, #tpu.memory_space<vmem>>[vector<16xi32>, vector<16xi32>], vector<16xf32>,
    %add3A_1144 = arith.addf %gather3A_1143, %gather3A_1142 : vector<16xf32>
    %ge3A_1145 = arith.constant 0.000000e+00 : f32
    %ge3A_1146 = vector.broadcast %ge3A_1145 : f32 to vector<16xf32>
    %ge3A_1147 = arith.cmpf oge, %add3A_1144, %ge3A_1146 : vector<16xf32>
    %mul3A_1148 = arith.constant 2.000000e-01 : f32
    %mul3A_1149 = vector.broadcast %mul3A_1148 : f32 to vector<16xf32>
    %mul3A_1150 = arith.mulf %mul3A_1149, %add3A_1144 : vector<16xf32>
    %select_n3A_1151 = arith.select %ge3A_1147, %add3A_1144, %mul3A_1150 : vector<16xi1>, vector<16xf32>
    %swap3A_1152 = arith.constant 10 : i32
    %swap3A_1153 = arith.index_cast %swap3A_1152 : i32 to index
    %swap3A_1154 = arith.constant 32 : index
    %swap3A_1155 = tpu.vector_load %arg9[%swap3A_1153, %swap3A_1154] {strides = array<i32>} : memref<16x64xf32, #tpu.memory_space<vmem>>, vector<16xf32>,
    tpu.vector_store %arg9[%swap3A_1153, %swap3A_1154], %select_n3A_1151 {strides = array<i32>} : memref<16x64xf32, #tpu.memory_space<vmem>>, vector<16xf32>,
    %get3A_1156 = arith.constant 10 : i32
    %get3A_1157 = arith.index_cast %get3A_1156 : i32 to index
    %get3A_1158 = arith.constant 48 : index
    %get3A_1159 = tpu.vector_load %arg8[%get3A_1157, %get3A_1158] {strides = array<i32>} : memref<16x64xi32, #tpu.memory_space<vmem>>, vector<16xi32>,
    %add3A_1160 = arith.addi %get3A_1159, %get3A_1159 : vector<16xi32>
    %add3A_1161 = arith.constant 48 : i32
    %add3A_1162 = vector.broadcast %add3A_1161 : i32 to vector<16xi32>
    %add3A_1163 = arith.addi %iota3A, %add3A_1162 : vector<16xi32>
    %add3A_1164 = arith.constant 1 : i32
    %add3A_1165 = vector.broadcast %add3A_1164 : i32 to vector<16xi32>
    %add3A_1166 = arith.addi %add3A_1160, %add3A_1165 : vector<16xi32>
    %gather3A_1167 = tpu.vector_load_idx %arg7[%add3A_1163, %add3A_1166] : memref<64x8xf32, #tpu.memory_space<vmem>>[vector<16xi32>, vector<16xi32>], vector<16xf32>,
    %gather3A_1168 = tpu.vector_load_idx %arg6[%broadcast_in_dim3A_1080, %add3A_1160] : memref<16x8xf32, #tpu.memory_space<vmem>>[vector<16xi32>, vector<16xi32>], vector<16xf32>,
    %add3A_1169 = arith.addf %gather3A_1168, %gather3A_1167 : vector<16xf32>
    %ge3A_1170 = arith.constant 0.000000e+00 : f32
    %ge3A_1171 = vector.broadcast %ge3A_1170 : f32 to vector<16xf32>
    %ge3A_1172 = arith.cmpf oge, %add3A_1169, %ge3A_1171 : vector<16xf32>
    %mul3A_1173 = arith.constant 2.000000e-01 : f32
    %mul3A_1174 = vector.broadcast %mul3A_1173 : f32 to vector<16xf32>
    %mul3A_1175 = arith.mulf %mul3A_1174, %add3A_1169 : vector<16xf32>
    %select_n3A_1176 = arith.select %ge3A_1172, %add3A_1169, %mul3A_1175 : vector<16xi1>, vector<16xf32>
    %swap3A_1177 = arith.constant 10 : i32
    %swap3A_1178 = arith.index_cast %swap3A_1177 : i32 to index
    %swap3A_1179 = arith.constant 48 : index
    %swap3A_1180 = tpu.vector_load %arg9[%swap3A_1178, %swap3A_1179] {strides = array<i32>} : memref<16x64xf32, #tpu.memory_space<vmem>>, vector<16xf32>,
    tpu.vector_store %arg9[%swap3A_1178, %swap3A_1179], %select_n3A_1176 {strides = array<i32>} : memref<16x64xf32, #tpu.memory_space<vmem>>, vector<16xf32>,
    %broadcast_in_dim3A_1181 = arith.constant 11 : i32
    %broadcast_in_dim3A_1182 = vector.broadcast %broadcast_in_dim3A_1181 : i32 to vector<16xi32>
    %get3A_1183 = arith.constant 11 : i32
    %get3A_1184 = arith.index_cast %get3A_1183 : i32 to index
    %get3A_1185 = arith.constant 0 : index
    %get3A_1186 = tpu.vector_load %arg8[%get3A_1184, %get3A_1185] {strides = array<i32>} : memref<16x64xi32, #tpu.memory_space<vmem>>, vector<16xi32>,
    %add3A_1187 = arith.addi %get3A_1186, %get3A_1186 : vector<16xi32>
    %add3A_1188 = arith.constant 0 : i32
    %add3A_1189 = vector.broadcast %add3A_1188 : i32 to vector<16xi32>
    %add3A_1190 = arith.addi %iota3A, %add3A_1189 : vector<16xi32>
    %add3A_1191 = arith.constant 1 : i32
    %add3A_1192 = vector.broadcast %add3A_1191 : i32 to vector<16xi32>
    %add3A_1193 = arith.addi %add3A_1187, %add3A_1192 : vector<16xi32>
    %gather3A_1194 = tpu.vector_load_idx %arg7[%add3A_1190, %add3A_1193] : memref<64x8xf32, #tpu.memory_space<vmem>>[vector<16xi32>, vector<16xi32>], vector<16xf32>,
    %gather3A_1195 = tpu.vector_load_idx %arg6[%broadcast_in_dim3A_1182, %add3A_1187] : memref<16x8xf32, #tpu.memory_space<vmem>>[vector<16xi32>, vector<16xi32>], vector<16xf32>,
    %add3A_1196 = arith.addf %gather3A_1195, %gather3A_1194 : vector<16xf32>
    %ge3A_1197 = arith.constant 0.000000e+00 : f32
    %ge3A_1198 = vector.broadcast %ge3A_1197 : f32 to vector<16xf32>
    %ge3A_1199 = arith.cmpf oge, %add3A_1196, %ge3A_1198 : vector<16xf32>
    %mul3A_1200 = arith.constant 2.000000e-01 : f32
    %mul3A_1201 = vector.broadcast %mul3A_1200 : f32 to vector<16xf32>
    %mul3A_1202 = arith.mulf %mul3A_1201, %add3A_1196 : vector<16xf32>
    %select_n3A_1203 = arith.select %ge3A_1199, %add3A_1196, %mul3A_1202 : vector<16xi1>, vector<16xf32>
    %swap3A_1204 = arith.constant 11 : i32
    %swap3A_1205 = arith.index_cast %swap3A_1204 : i32 to index
    %swap3A_1206 = arith.constant 0 : index
    %swap3A_1207 = tpu.vector_load %arg9[%swap3A_1205, %swap3A_1206] {strides = array<i32>} : memref<16x64xf32, #tpu.memory_space<vmem>>, vector<16xf32>,
    tpu.vector_store %arg9[%swap3A_1205, %swap3A_1206], %select_n3A_1203 {strides = array<i32>} : memref<16x64xf32, #tpu.memory_space<vmem>>, vector<16xf32>,
    %get3A_1208 = arith.constant 11 : i32
    %get3A_1209 = arith.index_cast %get3A_1208 : i32 to index
    %get3A_1210 = arith.constant 16 : index
    %get3A_1211 = tpu.vector_load %arg8[%get3A_1209, %get3A_1210] {strides = array<i32>} : memref<16x64xi32, #tpu.memory_space<vmem>>, vector<16xi32>,
    %add3A_1212 = arith.addi %get3A_1211, %get3A_1211 : vector<16xi32>
    %add3A_1213 = arith.constant 16 : i32
    %add3A_1214 = vector.broadcast %add3A_1213 : i32 to vector<16xi32>
    %add3A_1215 = arith.addi %iota3A, %add3A_1214 : vector<16xi32>
    %add3A_1216 = arith.constant 1 : i32
    %add3A_1217 = vector.broadcast %add3A_1216 : i32 to vector<16xi32>
    %add3A_1218 = arith.addi %add3A_1212, %add3A_1217 : vector<16xi32>
    %gather3A_1219 = tpu.vector_load_idx %arg7[%add3A_1215, %add3A_1218] : memref<64x8xf32, #tpu.memory_space<vmem>>[vector<16xi32>, vector<16xi32>], vector<16xf32>,
    %gather3A_1220 = tpu.vector_load_idx %arg6[%broadcast_in_dim3A_1182, %add3A_1212] : memref<16x8xf32, #tpu.memory_space<vmem>>[vector<16xi32>, vector<16xi32>], vector<16xf32>,
    %add3A_1221 = arith.addf %gather3A_1220, %gather3A_1219 : vector<16xf32>
    %ge3A_1222 = arith.constant 0.000000e+00 : f32
    %ge3A_1223 = vector.broadcast %ge3A_1222 : f32 to vector<16xf32>
    %ge3A_1224 = arith.cmpf oge, %add3A_1221, %ge3A_1223 : vector<16xf32>
    %mul3A_1225 = arith.constant 2.000000e-01 : f32
    %mul3A_1226 = vector.broadcast %mul3A_1225 : f32 to vector<16xf32>
    %mul3A_1227 = arith.mulf %mul3A_1226, %add3A_1221 : vector<16xf32>
    %select_n3A_1228 = arith.select %ge3A_1224, %add3A_1221, %mul3A_1227 : vector<16xi1>, vector<16xf32>
    %swap3A_1229 = arith.constant 11 : i32
    %swap3A_1230 = arith.index_cast %swap3A_1229 : i32 to index
    %swap3A_1231 = arith.constant 16 : index
    %swap3A_1232 = tpu.vector_load %arg9[%swap3A_1230, %swap3A_1231] {strides = array<i32>} : memref<16x64xf32, #tpu.memory_space<vmem>>, vector<16xf32>,
    tpu.vector_store %arg9[%swap3A_1230, %swap3A_1231], %select_n3A_1228 {strides = array<i32>} : memref<16x64xf32, #tpu.memory_space<vmem>>, vector<16xf32>,
    %get3A_1233 = arith.constant 11 : i32
    %get3A_1234 = arith.index_cast %get3A_1233 : i32 to index
    %get3A_1235 = arith.constant 32 : index
    %get3A_1236 = tpu.vector_load %arg8[%get3A_1234, %get3A_1235] {strides = array<i32>} : memref<16x64xi32, #tpu.memory_space<vmem>>, vector<16xi32>,
    %add3A_1237 = arith.addi %get3A_1236, %get3A_1236 : vector<16xi32>
    %add3A_1238 = arith.constant 32 : i32
    %add3A_1239 = vector.broadcast %add3A_1238 : i32 to vector<16xi32>
    %add3A_1240 = arith.addi %iota3A, %add3A_1239 : vector<16xi32>
    %add3A_1241 = arith.constant 1 : i32
    %add3A_1242 = vector.broadcast %add3A_1241 : i32 to vector<16xi32>
    %add3A_1243 = arith.addi %add3A_1237, %add3A_1242 : vector<16xi32>
    %gather3A_1244 = tpu.vector_load_idx %arg7[%add3A_1240, %add3A_1243] : memref<64x8xf32, #tpu.memory_space<vmem>>[vector<16xi32>, vector<16xi32>], vector<16xf32>,
    %gather3A_1245 = tpu.vector_load_idx %arg6[%broadcast_in_dim3A_1182, %add3A_1237] : memref<16x8xf32, #tpu.memory_space<vmem>>[vector<16xi32>, vector<16xi32>], vector<16xf32>,
    %add3A_1246 = arith.addf %gather3A_1245, %gather3A_1244 : vector<16xf32>
    %ge3A_1247 = arith.constant 0.000000e+00 : f32
    %ge3A_1248 = vector.broadcast %ge3A_1247 : f32 to vector<16xf32>
    %ge3A_1249 = arith.cmpf oge, %add3A_1246, %ge3A_1248 : vector<16xf32>
    %mul3A_1250 = arith.constant 2.000000e-01 : f32
    %mul3A_1251 = vector.broadcast %mul3A_1250 : f32 to vector<16xf32>
    %mul3A_1252 = arith.mulf %mul3A_1251, %add3A_1246 : vector<16xf32>
    %select_n3A_1253 = arith.select %ge3A_1249, %add3A_1246, %mul3A_1252 : vector<16xi1>, vector<16xf32>
    %swap3A_1254 = arith.constant 11 : i32
    %swap3A_1255 = arith.index_cast %swap3A_1254 : i32 to index
    %swap3A_1256 = arith.constant 32 : index
    %swap3A_1257 = tpu.vector_load %arg9[%swap3A_1255, %swap3A_1256] {strides = array<i32>} : memref<16x64xf32, #tpu.memory_space<vmem>>, vector<16xf32>,
    tpu.vector_store %arg9[%swap3A_1255, %swap3A_1256], %select_n3A_1253 {strides = array<i32>} : memref<16x64xf32, #tpu.memory_space<vmem>>, vector<16xf32>,
    %get3A_1258 = arith.constant 11 : i32
    %get3A_1259 = arith.index_cast %get3A_1258 : i32 to index
    %get3A_1260 = arith.constant 48 : index
    %get3A_1261 = tpu.vector_load %arg8[%get3A_1259, %get3A_1260] {strides = array<i32>} : memref<16x64xi32, #tpu.memory_space<vmem>>, vector<16xi32>,
    %add3A_1262 = arith.addi %get3A_1261, %get3A_1261 : vector<16xi32>
    %add3A_1263 = arith.constant 48 : i32
    %add3A_1264 = vector.broadcast %add3A_1263 : i32 to vector<16xi32>
    %add3A_1265 = arith.addi %iota3A, %add3A_1264 : vector<16xi32>
    %add3A_1266 = arith.constant 1 : i32
    %add3A_1267 = vector.broadcast %add3A_1266 : i32 to vector<16xi32>
    %add3A_1268 = arith.addi %add3A_1262, %add3A_1267 : vector<16xi32>
    %gather3A_1269 = tpu.vector_load_idx %arg7[%add3A_1265, %add3A_1268] : memref<64x8xf32, #tpu.memory_space<vmem>>[vector<16xi32>, vector<16xi32>], vector<16xf32>,
    %gather3A_1270 = tpu.vector_load_idx %arg6[%broadcast_in_dim3A_1182, %add3A_1262] : memref<16x8xf32, #tpu.memory_space<vmem>>[vector<16xi32>, vector<16xi32>], vector<16xf32>,
    %add3A_1271 = arith.addf %gather3A_1270, %gather3A_1269 : vector<16xf32>
    %ge3A_1272 = arith.constant 0.000000e+00 : f32
    %ge3A_1273 = vector.broadcast %ge3A_1272 : f32 to vector<16xf32>
    %ge3A_1274 = arith.cmpf oge, %add3A_1271, %ge3A_1273 : vector<16xf32>
    %mul3A_1275 = arith.constant 2.000000e-01 : f32
    %mul3A_1276 = vector.broadcast %mul3A_1275 : f32 to vector<16xf32>
    %mul3A_1277 = arith.mulf %mul3A_1276, %add3A_1271 : vector<16xf32>
    %select_n3A_1278 = arith.select %ge3A_1274, %add3A_1271, %mul3A_1277 : vector<16xi1>, vector<16xf32>
    %swap3A_1279 = arith.constant 11 : i32
    %swap3A_1280 = arith.index_cast %swap3A_1279 : i32 to index
    %swap3A_1281 = arith.constant 48 : index
    %swap3A_1282 = tpu.vector_load %arg9[%swap3A_1280, %swap3A_1281] {strides = array<i32>} : memref<16x64xf32, #tpu.memory_space<vmem>>, vector<16xf32>,
    tpu.vector_store %arg9[%swap3A_1280, %swap3A_1281], %select_n3A_1278 {strides = array<i32>} : memref<16x64xf32, #tpu.memory_space<vmem>>, vector<16xf32>,
    %broadcast_in_dim3A_1283 = arith.constant 12 : i32
    %broadcast_in_dim3A_1284 = vector.broadcast %broadcast_in_dim3A_1283 : i32 to vector<16xi32>
    %get3A_1285 = arith.constant 12 : i32
    %get3A_1286 = arith.index_cast %get3A_1285 : i32 to index
    %get3A_1287 = arith.constant 0 : index
    %get3A_1288 = tpu.vector_load %arg8[%get3A_1286, %get3A_1287] {strides = array<i32>} : memref<16x64xi32, #tpu.memory_space<vmem>>, vector<16xi32>,
    %add3A_1289 = arith.addi %get3A_1288, %get3A_1288 : vector<16xi32>
    %add3A_1290 = arith.constant 0 : i32
    %add3A_1291 = vector.broadcast %add3A_1290 : i32 to vector<16xi32>
    %add3A_1292 = arith.addi %iota3A, %add3A_1291 : vector<16xi32>
    %add3A_1293 = arith.constant 1 : i32
    %add3A_1294 = vector.broadcast %add3A_1293 : i32 to vector<16xi32>
    %add3A_1295 = arith.addi %add3A_1289, %add3A_1294 : vector<16xi32>
    %gather3A_1296 = tpu.vector_load_idx %arg7[%add3A_1292, %add3A_1295] : memref<64x8xf32, #tpu.memory_space<vmem>>[vector<16xi32>, vector<16xi32>], vector<16xf32>,
    %gather3A_1297 = tpu.vector_load_idx %arg6[%broadcast_in_dim3A_1284, %add3A_1289] : memref<16x8xf32, #tpu.memory_space<vmem>>[vector<16xi32>, vector<16xi32>], vector<16xf32>,
    %add3A_1298 = arith.addf %gather3A_1297, %gather3A_1296 : vector<16xf32>
    %ge3A_1299 = arith.constant 0.000000e+00 : f32
    %ge3A_1300 = vector.broadcast %ge3A_1299 : f32 to vector<16xf32>
    %ge3A_1301 = arith.cmpf oge, %add3A_1298, %ge3A_1300 : vector<16xf32>
    %mul3A_1302 = arith.constant 2.000000e-01 : f32
    %mul3A_1303 = vector.broadcast %mul3A_1302 : f32 to vector<16xf32>
    %mul3A_1304 = arith.mulf %mul3A_1303, %add3A_1298 : vector<16xf32>
    %select_n3A_1305 = arith.select %ge3A_1301, %add3A_1298, %mul3A_1304 : vector<16xi1>, vector<16xf32>
    %swap3A_1306 = arith.constant 12 : i32
    %swap3A_1307 = arith.index_cast %swap3A_1306 : i32 to index
    %swap3A_1308 = arith.constant 0 : index
    %swap3A_1309 = tpu.vector_load %arg9[%swap3A_1307, %swap3A_1308] {strides = array<i32>} : memref<16x64xf32, #tpu.memory_space<vmem>>, vector<16xf32>,
    tpu.vector_store %arg9[%swap3A_1307, %swap3A_1308], %select_n3A_1305 {strides = array<i32>} : memref<16x64xf32, #tpu.memory_space<vmem>>, vector<16xf32>,
    %get3A_1310 = arith.constant 12 : i32
    %get3A_1311 = arith.index_cast %get3A_1310 : i32 to index
    %get3A_1312 = arith.constant 16 : index
    %get3A_1313 = tpu.vector_load %arg8[%get3A_1311, %get3A_1312] {strides = array<i32>} : memref<16x64xi32, #tpu.memory_space<vmem>>, vector<16xi32>,
    %add3A_1314 = arith.addi %get3A_1313, %get3A_1313 : vector<16xi32>
    %add3A_1315 = arith.constant 16 : i32
    %add3A_1316 = vector.broadcast %add3A_1315 : i32 to vector<16xi32>
    %add3A_1317 = arith.addi %iota3A, %add3A_1316 : vector<16xi32>
    %add3A_1318 = arith.constant 1 : i32
    %add3A_1319 = vector.broadcast %add3A_1318 : i32 to vector<16xi32>
    %add3A_1320 = arith.addi %add3A_1314, %add3A_1319 : vector<16xi32>
    %gather3A_1321 = tpu.vector_load_idx %arg7[%add3A_1317, %add3A_1320] : memref<64x8xf32, #tpu.memory_space<vmem>>[vector<16xi32>, vector<16xi32>], vector<16xf32>,
    %gather3A_1322 = tpu.vector_load_idx %arg6[%broadcast_in_dim3A_1284, %add3A_1314] : memref<16x8xf32, #tpu.memory_space<vmem>>[vector<16xi32>, vector<16xi32>], vector<16xf32>,
    %add3A_1323 = arith.addf %gather3A_1322, %gather3A_1321 : vector<16xf32>
    %ge3A_1324 = arith.constant 0.000000e+00 : f32
    %ge3A_1325 = vector.broadcast %ge3A_1324 : f32 to vector<16xf32>
    %ge3A_1326 = arith.cmpf oge, %add3A_1323, %ge3A_1325 : vector<16xf32>
    %mul3A_1327 = arith.constant 2.000000e-01 : f32
    %mul3A_1328 = vector.broadcast %mul3A_1327 : f32 to vector<16xf32>
    %mul3A_1329 = arith.mulf %mul3A_1328, %add3A_1323 : vector<16xf32>
    %select_n3A_1330 = arith.select %ge3A_1326, %add3A_1323, %mul3A_1329 : vector<16xi1>, vector<16xf32>
    %swap3A_1331 = arith.constant 12 : i32
    %swap3A_1332 = arith.index_cast %swap3A_1331 : i32 to index
    %swap3A_1333 = arith.constant 16 : index
    %swap3A_1334 = tpu.vector_load %arg9[%swap3A_1332, %swap3A_1333] {strides = array<i32>} : memref<16x64xf32, #tpu.memory_space<vmem>>, vector<16xf32>,
    tpu.vector_store %arg9[%swap3A_1332, %swap3A_1333], %select_n3A_1330 {strides = array<i32>} : memref<16x64xf32, #tpu.memory_space<vmem>>, vector<16xf32>,
    %get3A_1335 = arith.constant 12 : i32
    %get3A_1336 = arith.index_cast %get3A_1335 : i32 to index
    %get3A_1337 = arith.constant 32 : index
    %get3A_1338 = tpu.vector_load %arg8[%get3A_1336, %get3A_1337] {strides = array<i32>} : memref<16x64xi32, #tpu.memory_space<vmem>>, vector<16xi32>,
    %add3A_1339 = arith.addi %get3A_1338, %get3A_1338 : vector<16xi32>
    %add3A_1340 = arith.constant 32 : i32
    %add3A_1341 = vector.broadcast %add3A_1340 : i32 to vector<16xi32>
    %add3A_1342 = arith.addi %iota3A, %add3A_1341 : vector<16xi32>
    %add3A_1343 = arith.constant 1 : i32
    %add3A_1344 = vector.broadcast %add3A_1343 : i32 to vector<16xi32>
    %add3A_1345 = arith.addi %add3A_1339, %add3A_1344 : vector<16xi32>
    %gather3A_1346 = tpu.vector_load_idx %arg7[%add3A_1342, %add3A_1345] : memref<64x8xf32, #tpu.memory_space<vmem>>[vector<16xi32>, vector<16xi32>], vector<16xf32>,
    %gather3A_1347 = tpu.vector_load_idx %arg6[%broadcast_in_dim3A_1284, %add3A_1339] : memref<16x8xf32, #tpu.memory_space<vmem>>[vector<16xi32>, vector<16xi32>], vector<16xf32>,
    %add3A_1348 = arith.addf %gather3A_1347, %gather3A_1346 : vector<16xf32>
    %ge3A_1349 = arith.constant 0.000000e+00 : f32
    %ge3A_1350 = vector.broadcast %ge3A_1349 : f32 to vector<16xf32>
    %ge3A_1351 = arith.cmpf oge, %add3A_1348, %ge3A_1350 : vector<16xf32>
    %mul3A_1352 = arith.constant 2.000000e-01 : f32
    %mul3A_1353 = vector.broadcast %mul3A_1352 : f32 to vector<16xf32>
    %mul3A_1354 = arith.mulf %mul3A_1353, %add3A_1348 : vector<16xf32>
    %select_n3A_1355 = arith.select %ge3A_1351, %add3A_1348, %mul3A_1354 : vector<16xi1>, vector<16xf32>
    %swap3A_1356 = arith.constant 12 : i32
    %swap3A_1357 = arith.index_cast %swap3A_1356 : i32 to index
    %swap3A_1358 = arith.constant 32 : index
    %swap3A_1359 = tpu.vector_load %arg9[%swap3A_1357, %swap3A_1358] {strides = array<i32>} : memref<16x64xf32, #tpu.memory_space<vmem>>, vector<16xf32>,
    tpu.vector_store %arg9[%swap3A_1357, %swap3A_1358], %select_n3A_1355 {strides = array<i32>} : memref<16x64xf32, #tpu.memory_space<vmem>>, vector<16xf32>,
    %get3A_1360 = arith.constant 12 : i32
    %get3A_1361 = arith.index_cast %get3A_1360 : i32 to index
    %get3A_1362 = arith.constant 48 : index
    %get3A_1363 = tpu.vector_load %arg8[%get3A_1361, %get3A_1362] {strides = array<i32>} : memref<16x64xi32, #tpu.memory_space<vmem>>, vector<16xi32>,
    %add3A_1364 = arith.addi %get3A_1363, %get3A_1363 : vector<16xi32>
    %add3A_1365 = arith.constant 48 : i32
    %add3A_1366 = vector.broadcast %add3A_1365 : i32 to vector<16xi32>
    %add3A_1367 = arith.addi %iota3A, %add3A_1366 : vector<16xi32>
    %add3A_1368 = arith.constant 1 : i32
    %add3A_1369 = vector.broadcast %add3A_1368 : i32 to vector<16xi32>
    %add3A_1370 = arith.addi %add3A_1364, %add3A_1369 : vector<16xi32>
    %gather3A_1371 = tpu.vector_load_idx %arg7[%add3A_1367, %add3A_1370] : memref<64x8xf32, #tpu.memory_space<vmem>>[vector<16xi32>, vector<16xi32>], vector<16xf32>,
    %gather3A_1372 = tpu.vector_load_idx %arg6[%broadcast_in_dim3A_1284, %add3A_1364] : memref<16x8xf32, #tpu.memory_space<vmem>>[vector<16xi32>, vector<16xi32>], vector<16xf32>,
    %add3A_1373 = arith.addf %gather3A_1372, %gather3A_1371 : vector<16xf32>
    %ge3A_1374 = arith.constant 0.000000e+00 : f32
    %ge3A_1375 = vector.broadcast %ge3A_1374 : f32 to vector<16xf32>
    %ge3A_1376 = arith.cmpf oge, %add3A_1373, %ge3A_1375 : vector<16xf32>
    %mul3A_1377 = arith.constant 2.000000e-01 : f32
    %mul3A_1378 = vector.broadcast %mul3A_1377 : f32 to vector<16xf32>
    %mul3A_1379 = arith.mulf %mul3A_1378, %add3A_1373 : vector<16xf32>
    %select_n3A_1380 = arith.select %ge3A_1376, %add3A_1373, %mul3A_1379 : vector<16xi1>, vector<16xf32>
    %swap3A_1381 = arith.constant 12 : i32
    %swap3A_1382 = arith.index_cast %swap3A_1381 : i32 to index
    %swap3A_1383 = arith.constant 48 : index
    %swap3A_1384 = tpu.vector_load %arg9[%swap3A_1382, %swap3A_1383] {strides = array<i32>} : memref<16x64xf32, #tpu.memory_space<vmem>>, vector<16xf32>,
    tpu.vector_store %arg9[%swap3A_1382, %swap3A_1383], %select_n3A_1380 {strides = array<i32>} : memref<16x64xf32, #tpu.memory_space<vmem>>, vector<16xf32>,
    %broadcast_in_dim3A_1385 = arith.constant 13 : i32
    %broadcast_in_dim3A_1386 = vector.broadcast %broadcast_in_dim3A_1385 : i32 to vector<16xi32>
    %get3A_1387 = arith.constant 13 : i32
    %get3A_1388 = arith.index_cast %get3A_1387 : i32 to index
    %get3A_1389 = arith.constant 0 : index
    %get3A_1390 = tpu.vector_load %arg8[%get3A_1388, %get3A_1389] {strides = array<i32>} : memref<16x64xi32, #tpu.memory_space<vmem>>, vector<16xi32>,
    %add3A_1391 = arith.addi %get3A_1390, %get3A_1390 : vector<16xi32>
    %add3A_1392 = arith.constant 0 : i32
    %add3A_1393 = vector.broadcast %add3A_1392 : i32 to vector<16xi32>
    %add3A_1394 = arith.addi %iota3A, %add3A_1393 : vector<16xi32>
    %add3A_1395 = arith.constant 1 : i32
    %add3A_1396 = vector.broadcast %add3A_1395 : i32 to vector<16xi32>
    %add3A_1397 = arith.addi %add3A_1391, %add3A_1396 : vector<16xi32>
    %gather3A_1398 = tpu.vector_load_idx %arg7[%add3A_1394, %add3A_1397] : memref<64x8xf32, #tpu.memory_space<vmem>>[vector<16xi32>, vector<16xi32>], vector<16xf32>,
    %gather3A_1399 = tpu.vector_load_idx %arg6[%broadcast_in_dim3A_1386, %add3A_1391] : memref<16x8xf32, #tpu.memory_space<vmem>>[vector<16xi32>, vector<16xi32>], vector<16xf32>,
    %add3A_1400 = arith.addf %gather3A_1399, %gather3A_1398 : vector<16xf32>
    %ge3A_1401 = arith.constant 0.000000e+00 : f32
    %ge3A_1402 = vector.broadcast %ge3A_1401 : f32 to vector<16xf32>
    %ge3A_1403 = arith.cmpf oge, %add3A_1400, %ge3A_1402 : vector<16xf32>
    %mul3A_1404 = arith.constant 2.000000e-01 : f32
    %mul3A_1405 = vector.broadcast %mul3A_1404 : f32 to vector<16xf32>
    %mul3A_1406 = arith.mulf %mul3A_1405, %add3A_1400 : vector<16xf32>
    %select_n3A_1407 = arith.select %ge3A_1403, %add3A_1400, %mul3A_1406 : vector<16xi1>, vector<16xf32>
    %swap3A_1408 = arith.constant 13 : i32
    %swap3A_1409 = arith.index_cast %swap3A_1408 : i32 to index
    %swap3A_1410 = arith.constant 0 : index
    %swap3A_1411 = tpu.vector_load %arg9[%swap3A_1409, %swap3A_1410] {strides = array<i32>} : memref<16x64xf32, #tpu.memory_space<vmem>>, vector<16xf32>,
    tpu.vector_store %arg9[%swap3A_1409, %swap3A_1410], %select_n3A_1407 {strides = array<i32>} : memref<16x64xf32, #tpu.memory_space<vmem>>, vector<16xf32>,
    %get3A_1412 = arith.constant 13 : i32
    %get3A_1413 = arith.index_cast %get3A_1412 : i32 to index
    %get3A_1414 = arith.constant 16 : index
    %get3A_1415 = tpu.vector_load %arg8[%get3A_1413, %get3A_1414] {strides = array<i32>} : memref<16x64xi32, #tpu.memory_space<vmem>>, vector<16xi32>,
    %add3A_1416 = arith.addi %get3A_1415, %get3A_1415 : vector<16xi32>
    %add3A_1417 = arith.constant 16 : i32
    %add3A_1418 = vector.broadcast %add3A_1417 : i32 to vector<16xi32>
    %add3A_1419 = arith.addi %iota3A, %add3A_1418 : vector<16xi32>
    %add3A_1420 = arith.constant 1 : i32
    %add3A_1421 = vector.broadcast %add3A_1420 : i32 to vector<16xi32>
    %add3A_1422 = arith.addi %add3A_1416, %add3A_1421 : vector<16xi32>
    %gather3A_1423 = tpu.vector_load_idx %arg7[%add3A_1419, %add3A_1422] : memref<64x8xf32, #tpu.memory_space<vmem>>[vector<16xi32>, vector<16xi32>], vector<16xf32>,
    %gather3A_1424 = tpu.vector_load_idx %arg6[%broadcast_in_dim3A_1386, %add3A_1416] : memref<16x8xf32, #tpu.memory_space<vmem>>[vector<16xi32>, vector<16xi32>], vector<16xf32>,
    %add3A_1425 = arith.addf %gather3A_1424, %gather3A_1423 : vector<16xf32>
    %ge3A_1426 = arith.constant 0.000000e+00 : f32
    %ge3A_1427 = vector.broadcast %ge3A_1426 : f32 to vector<16xf32>
    %ge3A_1428 = arith.cmpf oge, %add3A_1425, %ge3A_1427 : vector<16xf32>
    %mul3A_1429 = arith.constant 2.000000e-01 : f32
    %mul3A_1430 = vector.broadcast %mul3A_1429 : f32 to vector<16xf32>
    %mul3A_1431 = arith.mulf %mul3A_1430, %add3A_1425 : vector<16xf32>
    %select_n3A_1432 = arith.select %ge3A_1428, %add3A_1425, %mul3A_1431 : vector<16xi1>, vector<16xf32>
    %swap3A_1433 = arith.constant 13 : i32
    %swap3A_1434 = arith.index_cast %swap3A_1433 : i32 to index
    %swap3A_1435 = arith.constant 16 : index
    %swap3A_1436 = tpu.vector_load %arg9[%swap3A_1434, %swap3A_1435] {strides = array<i32>} : memref<16x64xf32, #tpu.memory_space<vmem>>, vector<16xf32>,
    tpu.vector_store %arg9[%swap3A_1434, %swap3A_1435], %select_n3A_1432 {strides = array<i32>} : memref<16x64xf32, #tpu.memory_space<vmem>>, vector<16xf32>,
    %get3A_1437 = arith.constant 13 : i32
    %get3A_1438 = arith.index_cast %get3A_1437 : i32 to index
    %get3A_1439 = arith.constant 32 : index
    %get3A_1440 = tpu.vector_load %arg8[%get3A_1438, %get3A_1439] {strides = array<i32>} : memref<16x64xi32, #tpu.memory_space<vmem>>, vector<16xi32>,
    %add3A_1441 = arith.addi %get3A_1440, %get3A_1440 : vector<16xi32>
    %add3A_1442 = arith.constant 32 : i32
    %add3A_1443 = vector.broadcast %add3A_1442 : i32 to vector<16xi32>
    %add3A_1444 = arith.addi %iota3A, %add3A_1443 : vector<16xi32>
    %add3A_1445 = arith.constant 1 : i32
    %add3A_1446 = vector.broadcast %add3A_1445 : i32 to vector<16xi32>
    %add3A_1447 = arith.addi %add3A_1441, %add3A_1446 : vector<16xi32>
    %gather3A_1448 = tpu.vector_load_idx %arg7[%add3A_1444, %add3A_1447] : memref<64x8xf32, #tpu.memory_space<vmem>>[vector<16xi32>, vector<16xi32>], vector<16xf32>,
    %gather3A_1449 = tpu.vector_load_idx %arg6[%broadcast_in_dim3A_1386, %add3A_1441] : memref<16x8xf32, #tpu.memory_space<vmem>>[vector<16xi32>, vector<16xi32>], vector<16xf32>,
    %add3A_1450 = arith.addf %gather3A_1449, %gather3A_1448 : vector<16xf32>
    %ge3A_1451 = arith.constant 0.000000e+00 : f32
    %ge3A_1452 = vector.broadcast %ge3A_1451 : f32 to vector<16xf32>
    %ge3A_1453 = arith.cmpf oge, %add3A_1450, %ge3A_1452 : vector<16xf32>
    %mul3A_1454 = arith.constant 2.000000e-01 : f32
    %mul3A_1455 = vector.broadcast %mul3A_1454 : f32 to vector<16xf32>
    %mul3A_1456 = arith.mulf %mul3A_1455, %add3A_1450 : vector<16xf32>
    %select_n3A_1457 = arith.select %ge3A_1453, %add3A_1450, %mul3A_1456 : vector<16xi1>, vector<16xf32>
    %swap3A_1458 = arith.constant 13 : i32
    %swap3A_1459 = arith.index_cast %swap3A_1458 : i32 to index
    %swap3A_1460 = arith.constant 32 : index
    %swap3A_1461 = tpu.vector_load %arg9[%swap3A_1459, %swap3A_1460] {strides = array<i32>} : memref<16x64xf32, #tpu.memory_space<vmem>>, vector<16xf32>,
    tpu.vector_store %arg9[%swap3A_1459, %swap3A_1460], %select_n3A_1457 {strides = array<i32>} : memref<16x64xf32, #tpu.memory_space<vmem>>, vector<16xf32>,
    %get3A_1462 = arith.constant 13 : i32
    %get3A_1463 = arith.index_cast %get3A_1462 : i32 to index
    %get3A_1464 = arith.constant 48 : index
    %get3A_1465 = tpu.vector_load %arg8[%get3A_1463, %get3A_1464] {strides = array<i32>} : memref<16x64xi32, #tpu.memory_space<vmem>>, vector<16xi32>,
    %add3A_1466 = arith.addi %get3A_1465, %get3A_1465 : vector<16xi32>
    %add3A_1467 = arith.constant 48 : i32
    %add3A_1468 = vector.broadcast %add3A_1467 : i32 to vector<16xi32>
    %add3A_1469 = arith.addi %iota3A, %add3A_1468 : vector<16xi32>
    %add3A_1470 = arith.constant 1 : i32
    %add3A_1471 = vector.broadcast %add3A_1470 : i32 to vector<16xi32>
    %add3A_1472 = arith.addi %add3A_1466, %add3A_1471 : vector<16xi32>
    %gather3A_1473 = tpu.vector_load_idx %arg7[%add3A_1469, %add3A_1472] : memref<64x8xf32, #tpu.memory_space<vmem>>[vector<16xi32>, vector<16xi32>], vector<16xf32>,
    %gather3A_1474 = tpu.vector_load_idx %arg6[%broadcast_in_dim3A_1386, %add3A_1466] : memref<16x8xf32, #tpu.memory_space<vmem>>[vector<16xi32>, vector<16xi32>], vector<16xf32>,
    %add3A_1475 = arith.addf %gather3A_1474, %gather3A_1473 : vector<16xf32>
    %ge3A_1476 = arith.constant 0.000000e+00 : f32
    %ge3A_1477 = vector.broadcast %ge3A_1476 : f32 to vector<16xf32>
    %ge3A_1478 = arith.cmpf oge, %add3A_1475, %ge3A_1477 : vector<16xf32>
    %mul3A_1479 = arith.constant 2.000000e-01 : f32
    %mul3A_1480 = vector.broadcast %mul3A_1479 : f32 to vector<16xf32>
    %mul3A_1481 = arith.mulf %mul3A_1480, %add3A_1475 : vector<16xf32>
    %select_n3A_1482 = arith.select %ge3A_1478, %add3A_1475, %mul3A_1481 : vector<16xi1>, vector<16xf32>
    %swap3A_1483 = arith.constant 13 : i32
    %swap3A_1484 = arith.index_cast %swap3A_1483 : i32 to index
    %swap3A_1485 = arith.constant 48 : index
    %swap3A_1486 = tpu.vector_load %arg9[%swap3A_1484, %swap3A_1485] {strides = array<i32>} : memref<16x64xf32, #tpu.memory_space<vmem>>, vector<16xf32>,
    tpu.vector_store %arg9[%swap3A_1484, %swap3A_1485], %select_n3A_1482 {strides = array<i32>} : memref<16x64xf32, #tpu.memory_space<vmem>>, vector<16xf32>,
    %broadcast_in_dim3A_1487 = arith.constant 14 : i32
    %broadcast_in_dim3A_1488 = vector.broadcast %broadcast_in_dim3A_1487 : i32 to vector<16xi32>
    %get3A_1489 = arith.constant 14 : i32
    %get3A_1490 = arith.index_cast %get3A_1489 : i32 to index
    %get3A_1491 = arith.constant 0 : index
    %get3A_1492 = tpu.vector_load %arg8[%get3A_1490, %get3A_1491] {strides = array<i32>} : memref<16x64xi32, #tpu.memory_space<vmem>>, vector<16xi32>,
    %add3A_1493 = arith.addi %get3A_1492, %get3A_1492 : vector<16xi32>
    %add3A_1494 = arith.constant 0 : i32
    %add3A_1495 = vector.broadcast %add3A_1494 : i32 to vector<16xi32>
    %add3A_1496 = arith.addi %iota3A, %add3A_1495 : vector<16xi32>
    %add3A_1497 = arith.constant 1 : i32
    %add3A_1498 = vector.broadcast %add3A_1497 : i32 to vector<16xi32>
    %add3A_1499 = arith.addi %add3A_1493, %add3A_1498 : vector<16xi32>
    %gather3A_1500 = tpu.vector_load_idx %arg7[%add3A_1496, %add3A_1499] : memref<64x8xf32, #tpu.memory_space<vmem>>[vector<16xi32>, vector<16xi32>], vector<16xf32>,
    %gather3A_1501 = tpu.vector_load_idx %arg6[%broadcast_in_dim3A_1488, %add3A_1493] : memref<16x8xf32, #tpu.memory_space<vmem>>[vector<16xi32>, vector<16xi32>], vector<16xf32>,
    %add3A_1502 = arith.addf %gather3A_1501, %gather3A_1500 : vector<16xf32>
    %ge3A_1503 = arith.constant 0.000000e+00 : f32
    %ge3A_1504 = vector.broadcast %ge3A_1503 : f32 to vector<16xf32>
    %ge3A_1505 = arith.cmpf oge, %add3A_1502, %ge3A_1504 : vector<16xf32>
    %mul3A_1506 = arith.constant 2.000000e-01 : f32
    %mul3A_1507 = vector.broadcast %mul3A_1506 : f32 to vector<16xf32>
    %mul3A_1508 = arith.mulf %mul3A_1507, %add3A_1502 : vector<16xf32>
    %select_n3A_1509 = arith.select %ge3A_1505, %add3A_1502, %mul3A_1508 : vector<16xi1>, vector<16xf32>
    %swap3A_1510 = arith.constant 14 : i32
    %swap3A_1511 = arith.index_cast %swap3A_1510 : i32 to index
    %swap3A_1512 = arith.constant 0 : index
    %swap3A_1513 = tpu.vector_load %arg9[%swap3A_1511, %swap3A_1512] {strides = array<i32>} : memref<16x64xf32, #tpu.memory_space<vmem>>, vector<16xf32>,
    tpu.vector_store %arg9[%swap3A_1511, %swap3A_1512], %select_n3A_1509 {strides = array<i32>} : memref<16x64xf32, #tpu.memory_space<vmem>>, vector<16xf32>,
    %get3A_1514 = arith.constant 14 : i32
    %get3A_1515 = arith.index_cast %get3A_1514 : i32 to index
    %get3A_1516 = arith.constant 16 : index
    %get3A_1517 = tpu.vector_load %arg8[%get3A_1515, %get3A_1516] {strides = array<i32>} : memref<16x64xi32, #tpu.memory_space<vmem>>, vector<16xi32>,
    %add3A_1518 = arith.addi %get3A_1517, %get3A_1517 : vector<16xi32>
    %add3A_1519 = arith.constant 16 : i32
    %add3A_1520 = vector.broadcast %add3A_1519 : i32 to vector<16xi32>
    %add3A_1521 = arith.addi %iota3A, %add3A_1520 : vector<16xi32>
    %add3A_1522 = arith.constant 1 : i32
    %add3A_1523 = vector.broadcast %add3A_1522 : i32 to vector<16xi32>
    %add3A_1524 = arith.addi %add3A_1518, %add3A_1523 : vector<16xi32>
    %gather3A_1525 = tpu.vector_load_idx %arg7[%add3A_1521, %add3A_1524] : memref<64x8xf32, #tpu.memory_space<vmem>>[vector<16xi32>, vector<16xi32>], vector<16xf32>,
    %gather3A_1526 = tpu.vector_load_idx %arg6[%broadcast_in_dim3A_1488, %add3A_1518] : memref<16x8xf32, #tpu.memory_space<vmem>>[vector<16xi32>, vector<16xi32>], vector<16xf32>,
    %add3A_1527 = arith.addf %gather3A_1526, %gather3A_1525 : vector<16xf32>
    %ge3A_1528 = arith.constant 0.000000e+00 : f32
    %ge3A_1529 = vector.broadcast %ge3A_1528 : f32 to vector<16xf32>
    %ge3A_1530 = arith.cmpf oge, %add3A_1527, %ge3A_1529 : vector<16xf32>
    %mul3A_1531 = arith.constant 2.000000e-01 : f32
    %mul3A_1532 = vector.broadcast %mul3A_1531 : f32 to vector<16xf32>
    %mul3A_1533 = arith.mulf %mul3A_1532, %add3A_1527 : vector<16xf32>
    %select_n3A_1534 = arith.select %ge3A_1530, %add3A_1527, %mul3A_1533 : vector<16xi1>, vector<16xf32>
    %swap3A_1535 = arith.constant 14 : i32
    %swap3A_1536 = arith.index_cast %swap3A_1535 : i32 to index
    %swap3A_1537 = arith.constant 16 : index
    %swap3A_1538 = tpu.vector_load %arg9[%swap3A_1536, %swap3A_1537] {strides = array<i32>} : memref<16x64xf32, #tpu.memory_space<vmem>>, vector<16xf32>,
    tpu.vector_store %arg9[%swap3A_1536, %swap3A_1537], %select_n3A_1534 {strides = array<i32>} : memref<16x64xf32, #tpu.memory_space<vmem>>, vector<16xf32>,
    %get3A_1539 = arith.constant 14 : i32
    %get3A_1540 = arith.index_cast %get3A_1539 : i32 to index
    %get3A_1541 = arith.constant 32 : index
    %get3A_1542 = tpu.vector_load %arg8[%get3A_1540, %get3A_1541] {strides = array<i32>} : memref<16x64xi32, #tpu.memory_space<vmem>>, vector<16xi32>,
    %add3A_1543 = arith.addi %get3A_1542, %get3A_1542 : vector<16xi32>
    %add3A_1544 = arith.constant 32 : i32
    %add3A_1545 = vector.broadcast %add3A_1544 : i32 to vector<16xi32>
    %add3A_1546 = arith.addi %iota3A, %add3A_1545 : vector<16xi32>
    %add3A_1547 = arith.constant 1 : i32
    %add3A_1548 = vector.broadcast %add3A_1547 : i32 to vector<16xi32>
    %add3A_1549 = arith.addi %add3A_1543, %add3A_1548 : vector<16xi32>
    %gather3A_1550 = tpu.vector_load_idx %arg7[%add3A_1546, %add3A_1549] : memref<64x8xf32, #tpu.memory_space<vmem>>[vector<16xi32>, vector<16xi32>], vector<16xf32>,
    %gather3A_1551 = tpu.vector_load_idx %arg6[%broadcast_in_dim3A_1488, %add3A_1543] : memref<16x8xf32, #tpu.memory_space<vmem>>[vector<16xi32>, vector<16xi32>], vector<16xf32>,
    %add3A_1552 = arith.addf %gather3A_1551, %gather3A_1550 : vector<16xf32>
    %ge3A_1553 = arith.constant 0.000000e+00 : f32
    %ge3A_1554 = vector.broadcast %ge3A_1553 : f32 to vector<16xf32>
    %ge3A_1555 = arith.cmpf oge, %add3A_1552, %ge3A_1554 : vector<16xf32>
    %mul3A_1556 = arith.constant 2.000000e-01 : f32
    %mul3A_1557 = vector.broadcast %mul3A_1556 : f32 to vector<16xf32>
    %mul3A_1558 = arith.mulf %mul3A_1557, %add3A_1552 : vector<16xf32>
    %select_n3A_1559 = arith.select %ge3A_1555, %add3A_1552, %mul3A_1558 : vector<16xi1>, vector<16xf32>
    %swap3A_1560 = arith.constant 14 : i32
    %swap3A_1561 = arith.index_cast %swap3A_1560 : i32 to index
    %swap3A_1562 = arith.constant 32 : index
    %swap3A_1563 = tpu.vector_load %arg9[%swap3A_1561, %swap3A_1562] {strides = array<i32>} : memref<16x64xf32, #tpu.memory_space<vmem>>, vector<16xf32>,
    tpu.vector_store %arg9[%swap3A_1561, %swap3A_1562], %select_n3A_1559 {strides = array<i32>} : memref<16x64xf32, #tpu.memory_space<vmem>>, vector<16xf32>,
    %get3A_1564 = arith.constant 14 : i32
    %get3A_1565 = arith.index_cast %get3A_1564 : i32 to index
    %get3A_1566 = arith.constant 48 : index
    %get3A_1567 = tpu.vector_load %arg8[%get3A_1565, %get3A_1566] {strides = array<i32>} : memref<16x64xi32, #tpu.memory_space<vmem>>, vector<16xi32>,
    %add3A_1568 = arith.addi %get3A_1567, %get3A_1567 : vector<16xi32>
    %add3A_1569 = arith.constant 48 : i32
    %add3A_1570 = vector.broadcast %add3A_1569 : i32 to vector<16xi32>
    %add3A_1571 = arith.addi %iota3A, %add3A_1570 : vector<16xi32>
    %add3A_1572 = arith.constant 1 : i32
    %add3A_1573 = vector.broadcast %add3A_1572 : i32 to vector<16xi32>
    %add3A_1574 = arith.addi %add3A_1568, %add3A_1573 : vector<16xi32>
    %gather3A_1575 = tpu.vector_load_idx %arg7[%add3A_1571, %add3A_1574] : memref<64x8xf32, #tpu.memory_space<vmem>>[vector<16xi32>, vector<16xi32>], vector<16xf32>,
    %gather3A_1576 = tpu.vector_load_idx %arg6[%broadcast_in_dim3A_1488, %add3A_1568] : memref<16x8xf32, #tpu.memory_space<vmem>>[vector<16xi32>, vector<16xi32>], vector<16xf32>,
    %add3A_1577 = arith.addf %gather3A_1576, %gather3A_1575 : vector<16xf32>
    %ge3A_1578 = arith.constant 0.000000e+00 : f32
    %ge3A_1579 = vector.broadcast %ge3A_1578 : f32 to vector<16xf32>
    %ge3A_1580 = arith.cmpf oge, %add3A_1577, %ge3A_1579 : vector<16xf32>
    %mul3A_1581 = arith.constant 2.000000e-01 : f32
    %mul3A_1582 = vector.broadcast %mul3A_1581 : f32 to vector<16xf32>
    %mul3A_1583 = arith.mulf %mul3A_1582, %add3A_1577 : vector<16xf32>
    %select_n3A_1584 = arith.select %ge3A_1580, %add3A_1577, %mul3A_1583 : vector<16xi1>, vector<16xf32>
    %swap3A_1585 = arith.constant 14 : i32
    %swap3A_1586 = arith.index_cast %swap3A_1585 : i32 to index
    %swap3A_1587 = arith.constant 48 : index
    %swap3A_1588 = tpu.vector_load %arg9[%swap3A_1586, %swap3A_1587] {strides = array<i32>} : memref<16x64xf32, #tpu.memory_space<vmem>>, vector<16xf32>,
    tpu.vector_store %arg9[%swap3A_1586, %swap3A_1587], %select_n3A_1584 {strides = array<i32>} : memref<16x64xf32, #tpu.memory_space<vmem>>, vector<16xf32>,
    %broadcast_in_dim3A_1589 = arith.constant 15 : i32
    %broadcast_in_dim3A_1590 = vector.broadcast %broadcast_in_dim3A_1589 : i32 to vector<16xi32>
    %get3A_1591 = arith.constant 15 : i32
    %get3A_1592 = arith.index_cast %get3A_1591 : i32 to index
    %get3A_1593 = arith.constant 0 : index
    %get3A_1594 = tpu.vector_load %arg8[%get3A_1592, %get3A_1593] {strides = array<i32>} : memref<16x64xi32, #tpu.memory_space<vmem>>, vector<16xi32>,
    %add3A_1595 = arith.addi %get3A_1594, %get3A_1594 : vector<16xi32>
    %add3A_1596 = arith.constant 0 : i32
    %add3A_1597 = vector.broadcast %add3A_1596 : i32 to vector<16xi32>
    %add3A_1598 = arith.addi %iota3A, %add3A_1597 : vector<16xi32>
    %add3A_1599 = arith.constant 1 : i32
    %add3A_1600 = vector.broadcast %add3A_1599 : i32 to vector<16xi32>
    %add3A_1601 = arith.addi %add3A_1595, %add3A_1600 : vector<16xi32>
    %gather3A_1602 = tpu.vector_load_idx %arg7[%add3A_1598, %add3A_1601] : memref<64x8xf32, #tpu.memory_space<vmem>>[vector<16xi32>, vector<16xi32>], vector<16xf32>,
    %gather3A_1603 = tpu.vector_load_idx %arg6[%broadcast_in_dim3A_1590, %add3A_1595] : memref<16x8xf32, #tpu.memory_space<vmem>>[vector<16xi32>, vector<16xi32>], vector<16xf32>,
    %add3A_1604 = arith.addf %gather3A_1603, %gather3A_1602 : vector<16xf32>
    %ge3A_1605 = arith.constant 0.000000e+00 : f32
    %ge3A_1606 = vector.broadcast %ge3A_1605 : f32 to vector<16xf32>
    %ge3A_1607 = arith.cmpf oge, %add3A_1604, %ge3A_1606 : vector<16xf32>
    %mul3A_1608 = arith.constant 2.000000e-01 : f32
    %mul3A_1609 = vector.broadcast %mul3A_1608 : f32 to vector<16xf32>
    %mul3A_1610 = arith.mulf %mul3A_1609, %add3A_1604 : vector<16xf32>
    %select_n3A_1611 = arith.select %ge3A_1607, %add3A_1604, %mul3A_1610 : vector<16xi1>, vector<16xf32>
    %swap3A_1612 = arith.constant 15 : i32
    %swap3A_1613 = arith.index_cast %swap3A_1612 : i32 to index
    %swap3A_1614 = arith.constant 0 : index
    %swap3A_1615 = tpu.vector_load %arg9[%swap3A_1613, %swap3A_1614] {strides = array<i32>} : memref<16x64xf32, #tpu.memory_space<vmem>>, vector<16xf32>,
    tpu.vector_store %arg9[%swap3A_1613, %swap3A_1614], %select_n3A_1611 {strides = array<i32>} : memref<16x64xf32, #tpu.memory_space<vmem>>, vector<16xf32>,
    %get3A_1616 = arith.constant 15 : i32
    %get3A_1617 = arith.index_cast %get3A_1616 : i32 to index
    %get3A_1618 = arith.constant 16 : index
    %get3A_1619 = tpu.vector_load %arg8[%get3A_1617, %get3A_1618] {strides = array<i32>} : memref<16x64xi32, #tpu.memory_space<vmem>>, vector<16xi32>,
    %add3A_1620 = arith.addi %get3A_1619, %get3A_1619 : vector<16xi32>
    %add3A_1621 = arith.constant 16 : i32
    %add3A_1622 = vector.broadcast %add3A_1621 : i32 to vector<16xi32>
    %add3A_1623 = arith.addi %iota3A, %add3A_1622 : vector<16xi32>
    %add3A_1624 = arith.constant 1 : i32
    %add3A_1625 = vector.broadcast %add3A_1624 : i32 to vector<16xi32>
    %add3A_1626 = arith.addi %add3A_1620, %add3A_1625 : vector<16xi32>
    %gather3A_1627 = tpu.vector_load_idx %arg7[%add3A_1623, %add3A_1626] : memref<64x8xf32, #tpu.memory_space<vmem>>[vector<16xi32>, vector<16xi32>], vector<16xf32>,
    %gather3A_1628 = tpu.vector_load_idx %arg6[%broadcast_in_dim3A_1590, %add3A_1620] : memref<16x8xf32, #tpu.memory_space<vmem>>[vector<16xi32>, vector<16xi32>], vector<16xf32>,
    %add3A_1629 = arith.addf %gather3A_1628, %gather3A_1627 : vector<16xf32>
    %ge3A_1630 = arith.constant 0.000000e+00 : f32
    %ge3A_1631 = vector.broadcast %ge3A_1630 : f32 to vector<16xf32>
    %ge3A_1632 = arith.cmpf oge, %add3A_1629, %ge3A_1631 : vector<16xf32>
    %mul3A_1633 = arith.constant 2.000000e-01 : f32
    %mul3A_1634 = vector.broadcast %mul3A_1633 : f32 to vector<16xf32>
    %mul3A_1635 = arith.mulf %mul3A_1634, %add3A_1629 : vector<16xf32>
    %select_n3A_1636 = arith.select %ge3A_1632, %add3A_1629, %mul3A_1635 : vector<16xi1>, vector<16xf32>
    %swap3A_1637 = arith.constant 15 : i32
    %swap3A_1638 = arith.index_cast %swap3A_1637 : i32 to index
    %swap3A_1639 = arith.constant 16 : index
    %swap3A_1640 = tpu.vector_load %arg9[%swap3A_1638, %swap3A_1639] {strides = array<i32>} : memref<16x64xf32, #tpu.memory_space<vmem>>, vector<16xf32>,
    tpu.vector_store %arg9[%swap3A_1638, %swap3A_1639], %select_n3A_1636 {strides = array<i32>} : memref<16x64xf32, #tpu.memory_space<vmem>>, vector<16xf32>,
    %get3A_1641 = arith.constant 15 : i32
    %get3A_1642 = arith.index_cast %get3A_1641 : i32 to index
    %get3A_1643 = arith.constant 32 : index
    %get3A_1644 = tpu.vector_load %arg8[%get3A_1642, %get3A_1643] {strides = array<i32>} : memref<16x64xi32, #tpu.memory_space<vmem>>, vector<16xi32>,
    %add3A_1645 = arith.addi %get3A_1644, %get3A_1644 : vector<16xi32>
    %add3A_1646 = arith.constant 32 : i32
    %add3A_1647 = vector.broadcast %add3A_1646 : i32 to vector<16xi32>
    %add3A_1648 = arith.addi %iota3A, %add3A_1647 : vector<16xi32>
    %add3A_1649 = arith.constant 1 : i32
    %add3A_1650 = vector.broadcast %add3A_1649 : i32 to vector<16xi32>
    %add3A_1651 = arith.addi %add3A_1645, %add3A_1650 : vector<16xi32>
    %gather3A_1652 = tpu.vector_load_idx %arg7[%add3A_1648, %add3A_1651] : memref<64x8xf32, #tpu.memory_space<vmem>>[vector<16xi32>, vector<16xi32>], vector<16xf32>,
    %gather3A_1653 = tpu.vector_load_idx %arg6[%broadcast_in_dim3A_1590, %add3A_1645] : memref<16x8xf32, #tpu.memory_space<vmem>>[vector<16xi32>, vector<16xi32>], vector<16xf32>,
    %add3A_1654 = arith.addf %gather3A_1653, %gather3A_1652 : vector<16xf32>
    %ge3A_1655 = arith.constant 0.000000e+00 : f32
    %ge3A_1656 = vector.broadcast %ge3A_1655 : f32 to vector<16xf32>
    %ge3A_1657 = arith.cmpf oge, %add3A_1654, %ge3A_1656 : vector<16xf32>
    %mul3A_1658 = arith.constant 2.000000e-01 : f32
    %mul3A_1659 = vector.broadcast %mul3A_1658 : f32 to vector<16xf32>
    %mul3A_1660 = arith.mulf %mul3A_1659, %add3A_1654 : vector<16xf32>
    %select_n3A_1661 = arith.select %ge3A_1657, %add3A_1654, %mul3A_1660 : vector<16xi1>, vector<16xf32>
    %swap3A_1662 = arith.constant 15 : i32
    %swap3A_1663 = arith.index_cast %swap3A_1662 : i32 to index
    %swap3A_1664 = arith.constant 32 : index
    %swap3A_1665 = tpu.vector_load %arg9[%swap3A_1663, %swap3A_1664] {strides = array<i32>} : memref<16x64xf32, #tpu.memory_space<vmem>>, vector<16xf32>,
    tpu.vector_store %arg9[%swap3A_1663, %swap3A_1664], %select_n3A_1661 {strides = array<i32>} : memref<16x64xf32, #tpu.memory_space<vmem>>, vector<16xf32>,
    %get3A_1666 = arith.constant 15 : i32
    %get3A_1667 = arith.index_cast %get3A_1666 : i32 to index
    %get3A_1668 = arith.constant 48 : index
    %get3A_1669 = tpu.vector_load %arg8[%get3A_1667, %get3A_1668] {strides = array<i32>} : memref<16x64xi32, #tpu.memory_space<vmem>>, vector<16xi32>,
    %add3A_1670 = arith.addi %get3A_1669, %get3A_1669 : vector<16xi32>
    %add3A_1671 = arith.constant 48 : i32
    %add3A_1672 = vector.broadcast %add3A_1671 : i32 to vector<16xi32>
    %add3A_1673 = arith.addi %iota3A, %add3A_1672 : vector<16xi32>
    %add3A_1674 = arith.constant 1 : i32
    %add3A_1675 = vector.broadcast %add3A_1674 : i32 to vector<16xi32>
    %add3A_1676 = arith.addi %add3A_1670, %add3A_1675 : vector<16xi32>
    %gather3A_1677 = tpu.vector_load_idx %arg7[%add3A_1673, %add3A_1676] : memref<64x8xf32, #tpu.memory_space<vmem>>[vector<16xi32>, vector<16xi32>], vector<16xf32>,
    %gather3A_1678 = tpu.vector_load_idx %arg6[%broadcast_in_dim3A_1590, %add3A_1670] : memref<16x8xf32, #tpu.memory_space<vmem>>[vector<16xi32>, vector<16xi32>], vector<16xf32>,
    %add3A_1679 = arith.addf %gather3A_1678, %gather3A_1677 : vector<16xf32>
    %ge3A_1680 = arith.constant 0.000000e+00 : f32
    %ge3A_1681 = vector.broadcast %ge3A_1680 : f32 to vector<16xf32>
    %ge3A_1682 = arith.cmpf oge, %add3A_1679, %ge3A_1681 : vector<16xf32>
    %mul3A_1683 = arith.constant 2.000000e-01 : f32
    %mul3A_1684 = vector.broadcast %mul3A_1683 : f32 to vector<16xf32>
    %mul3A_1685 = arith.mulf %mul3A_1684, %add3A_1679 : vector<16xf32>
    %select_n3A_1686 = arith.select %ge3A_1682, %add3A_1679, %mul3A_1685 : vector<16xi1>, vector<16xf32>
    %swap3A_1687 = arith.constant 15 : i32
    %swap3A_1688 = arith.index_cast %swap3A_1687 : i32 to index
    %swap3A_1689 = arith.constant 48 : index
    %swap3A_1690 = tpu.vector_load %arg9[%swap3A_1688, %swap3A_1689] {strides = array<i32>} : memref<16x64xf32, #tpu.memory_space<vmem>>, vector<16xf32>,
    tpu.vector_store %arg9[%swap3A_1688, %swap3A_1689], %select_n3A_1686 {strides = array<i32>} : memref<16x64xf32, #tpu.memory_space<vmem>>, vector<16xf32>,
    "tpu.region"() ({
      %run_scoped3A = tpu.sem_alloc : memref<!tpu.dma_semaphore, #tpu.memory_space<semaphore_mem>>
      %dma_start3A_1691 = arith.constant 0 : i32
      %dma_start3A_1692 = tpu.memref_slice %arg5[%add3A, %mul3A_32, %dma_start3A_1691] : memref<8x64x64xf32, #tpu.memory_space<hbm>> -> memref<1x16x64xf32, #tpu.memory_space<hbm>>
      %dma_start3A_1693 = tpu.memref_squeeze %dma_start3A_1692 : memref<1x16x64xf32, #tpu.memory_space<hbm>> -> memref<16x64xf32, #tpu.memory_space<hbm>>
      %dma_start3A_1694 = arith.constant 0 : i32
      %dma_start3A_1695 = tpu.memref_slice %arg5[%add3A, %mul3A_32, %dma_start3A_1694] : memref<8x64x64xf32, #tpu.memory_space<hbm>> -> memref<1x16x64xf32, #tpu.memory_space<hbm>>
      %dma_start3A_1696 = tpu.memref_squeeze %dma_start3A_1695 : memref<1x16x64xf32, #tpu.memory_space<hbm>> -> memref<16x64xf32, #tpu.memory_space<hbm>>
      tpu.enqueue_dma source(%arg9 : memref<16x64xf32, #tpu.memory_space<vmem>>) target(%dma_start3A_1696 : memref<16x64xf32, #tpu.memory_space<hbm>>) target_semaphore(%run_scoped3A : memref<!tpu.dma_semaphore, #tpu.memory_space<semaphore_mem>>)
      %dma_wait3A_1697 = arith.constant 0 : i32
      %dma_wait3A_1698 = tpu.memref_slice %arg5[%add3A, %mul3A_32, %dma_wait3A_1697] : memref<8x64x64xf32, #tpu.memory_space<hbm>> -> memref<1x16x64xf32, #tpu.memory_space<hbm>>
      %dma_wait3A_1699 = tpu.memref_squeeze %dma_wait3A_1698 : memref<1x16x64xf32, #tpu.memory_space<hbm>> -> memref<16x64xf32, #tpu.memory_space<hbm>>
      %dma_wait3A_1700 = arith.constant 0 : i32
      %dma_wait3A_1701 = tpu.memref_slice %arg5[%add3A, %mul3A_32, %dma_wait3A_1700] : memref<8x64x64xf32, #tpu.memory_space<hbm>> -> memref<1x16x64xf32, #tpu.memory_space<hbm>>
      %dma_wait3A_1702 = tpu.memref_squeeze %dma_wait3A_1701 : memref<1x16x64xf32, #tpu.memory_space<hbm>> -> memref<16x64xf32, #tpu.memory_space<hbm>>
      tpu.wait_dma2 semaphore(%run_scoped3A : memref<!tpu.dma_semaphore, #tpu.memory_space<semaphore_mem>>) src(%arg9 : memref<16x64xf32, #tpu.memory_space<vmem>>) dst(%dma_wait3A_1702 : memref<16x64xf32, #tpu.memory_space<hbm>>)
      tpu.yield
    }) : () -> ()
    return
  }
}

module attributes {stable_mosaic.version = 14 : i64} {
  func.func @_tc_proj_body(%arg0: memref<512x128xf32, #tpu.memory_space<vmem>>, %arg1: memref<512x128xf32, #tpu.memory_space<vmem>>, %arg2: memref<8x128xf32, #tpu.memory_space<vmem>>, %arg3: memref<512x8xf32, #tpu.memory_space<vmem>>, %arg4: memref<512x8xf32, #tpu.memory_space<vmem>>) attributes {dimension_semantics = [], scalar_prefetch = 0 : i64, scratch_operands = 0 : i64, tpu.core_type = #tpu.core_type<tc>} {
    %get3A = arith.constant 0 : index
    %get3A_0 = arith.constant 0 : index
    %get3A_1 = vector.load %arg2[%get3A, %get3A_0] : memref<8x128xf32, #tpu.memory_space<vmem>>, vector<8x128xf32>
    %get3A_2 = arith.constant 0 : index
    %get3A_3 = arith.constant 0 : index
    %get3A_4 = vector.load %arg0[%get3A_2, %get3A_3] : memref<512x128xf32, #tpu.memory_space<vmem>>, vector<512x128xf32>
    %dot_general3A = arith.constant dense<0.000000e+00> : vector<512x8xf32>
    %dot_general3A_5 = tpu.matmul %get3A_4, %get3A_1, %dot_general3A {dimension_numbers = #tpu.dot_dimension_numbers<[1], [1], [0], [0], [0, 0, 1, 0], [], []>, transpose_lhs_hint = false} : vector<512x128xf32>, vector<8x128xf32>, vector<512x8xf32> -> vector<512x8xf32>
    %swap3A = arith.constant 0 : index
    %swap3A_6 = arith.constant 0 : index
    %swap3A_7 = vector.load %arg3[%swap3A, %swap3A_6] : memref<512x8xf32, #tpu.memory_space<vmem>>, vector<512x8xf32>
    tpu.vector_store %arg3[%swap3A, %swap3A_6], %dot_general3A_5 {strides = array<i32>} : memref<512x8xf32, #tpu.memory_space<vmem>>, vector<512x8xf32>,
    %get3A_8 = arith.constant 0 : index
    %get3A_9 = arith.constant 0 : index
    %get3A_10 = vector.load %arg1[%get3A_8, %get3A_9] : memref<512x128xf32, #tpu.memory_space<vmem>>, vector<512x128xf32>
    %dot_general3A_11 = arith.constant dense<0.000000e+00> : vector<512x8xf32>
    %dot_general3A_12 = tpu.matmul %get3A_10, %get3A_1, %dot_general3A_11 {dimension_numbers = #tpu.dot_dimension_numbers<[1], [1], [0], [0], [0, 0, 1, 0], [], []>, transpose_lhs_hint = false} : vector<512x128xf32>, vector<8x128xf32>, vector<512x8xf32> -> vector<512x8xf32>
    %swap3A_13 = arith.constant 0 : index
    %swap3A_14 = arith.constant 0 : index
    %swap3A_15 = vector.load %arg4[%swap3A_13, %swap3A_14] : memref<512x8xf32, #tpu.memory_space<vmem>>, vector<512x8xf32>
    tpu.vector_store %arg4[%swap3A_13, %swap3A_14], %dot_general3A_12 {strides = array<i32>} : memref<512x8xf32, #tpu.memory_space<vmem>>, vector<512x8xf32>,
    return
  }
}

</mosaic_0001>

<sc_bundles>
// kernel: kernel.4.cloned.1.call-start
scs
__scs_entry_jumppad:
0x0: {  	(pc) =	sbr.rel $0x88, $3  }
0x1: {  	(tag) =	ssettag $0x0;
	lr =	simm.s32 $0x1  }
0x2: {  	[smem:$0x3F9D] =	sst lr;
	_ =	strace $0xD0000000  }
0x3: {  	_ = 	snop  }
0x4: {  	_ = 	snop  }
0x5: {  	_ = 	snop  }
0x6: {  	_ = 	snop  }
0x7: {  	_ = 	snop  }
__scs_overlays_trampoline_lowered:
0x8: {  	[smem:$0x3FAC] =	sst s0  }
0x9: {  	[smem:$0x3FAD] =	sst s1  }
0xa: {  	[smem:$0x3FAE] =	sst s2  }
0xb: {  	[smem:$0x3FAF] =	sst s3  }
0xc: {  	[smem:$0x3FB0] =	sst s4  }
0xd: {  	[smem:$0x3FB1] =	sst s5  }
0xe: {  	[smem:$0x3FB2] =	sst s6  }
0xf: {  	[smem:$0x3FB3] =	sst s7  }
0x10: {  	[smem:$0x3FB4] =	sst s8  }
0x11: {  	[smem:$0x3FB5] =	sst s9;
	s0 =	simm.s32 @!p0 $0x0  }
0x12: {  	s1 =	sld [smem:$0x3F9B];
	s0 =	simm.s32 @p0 $0x1  }
0x13: {  	[smem:$0x3FB6] =	sst s0;
	s0 =	simm.s32 @!p1 $0x0  }
0x14: {  	s2 =	sld [smem:$0x3F9A];
	s0 =	simm.s32 @p1 $0x1  }
0x15: {  	[smem:$0x3FB7] =	sst s0;
	s0 =	simm.s32 @!p2 $0x0  }
0x16: {  	s3 =	sld [smem:$0x3FDB];
	s0 =	simm.s32 @p2 $0x1  }
0x17: {  	s4 =	simm.s32 $0x1BF5;
	[smem:$0x3FB9] =	sst s0  }
0x18: {  	s0 =	sld [smem:$0x3F9C];
	_ =	swait.ge [sflag:s4], $0x0  }
0x19: {  	s7 =	sld [smem:$0x3F9D]  }
0x1a: {  	s8 =	sadd.s32 $0xFFFFE003, lr  }
0x1b: {  	s9 =	sadd.s32 $0xFFFFFEF7, lr;
	s5 =	simm.s32 $0xFFFFFFFF;
	p2 =	slt.u32 s8, $0xFFFFF086  }
0x1c: {  	p1 =	slt.u32 s9, $0xF7A;
	s5 =	simm.s32 @!p2 $0x0  }
0x1d: {  	s5 =	simm.s32 @p1 $0x1;
	p0 =	seq.s32 s7, s2  }
0x1e: {  	s7 =	smul.u32 @!p0 $0xF7A, s2;
	p2 =	seq.s32 @!p0 s5, $0x0  }
0x1f: {  	s9 =	smul.u32 $0xF7A, s1;
	s8 =	simm.s32 @!p0 $0x1BF5;
	p2 =	por !p2, p0  }
0x20: {  	[sflag:s8] =	ssyncset.s32 @!p0 $0xFFFFF086;
	s6 =	sadd.s32 @!p0 s3, s7;
	s7 =	simm.s32 @!p0 $0x108  }
0x21: {  	s3 =	sadd.s32 s3, s9;
	s6 =	sadd.s32 @!p0 $0x88, s6;
	s7 =	simm.s32 @p2 $0x1082  }
0x22: {  	[simem:s7], [sflag:s8] =	dma.local @!p0 [hbm:s6], $0xF7A  }
0x23: {  	s9 =	sor.u32 $0xD0000000, s2;
	s6 =	simm.s32 $0x108;
	_ =	swait.ge @!p0 [sflag:s8], $0x0  }
0x24: {  	s3 =	sadd.s32 $0x88, s3;
	s6 =	simm.s32 @!p1 $0x1082;
	[sflag:s4] =	ssyncset.s32 $0xFFFFF086  }
0x25: {  	[simem:s6], [sflag:s4] =	dma.local [hbm:s3], $0xF7A  }
0x26: {  	[smem:$0x3F9D] =	sst s1;
	(tag) =	ssettag s2;
	_ =	strace s9  }
0x27: {  	s1 =	sld [smem:$0x3FAD]  }
0x28: {  	s2 =	sld [smem:$0x3FAE]  }
0x29: {  	s4 =	sld [smem:$0x3FB0]  }
0x2a: {  	p0 =	seq.s32 s5, $0x0;
	s5 =	sld [smem:$0x3FB1]  }
0x2b: {  	s6 =	sld [smem:$0x3FB2]  }
0x2c: {  	s7 =	sld [smem:$0x3FB3]  }
0x2d: {  	s3 =	simm.s32 $0x108;
	s8 =	sld [smem:$0x3FB4]  }
0x2e: {  	s3 =	simm.s32 @!p0 $0x1082;
	s9 =	sld [smem:$0x3FB5]  }
0x2f: {  	lr =	sadd.s32 s0, s3;
	s0 =	sld [smem:$0x3FAC]  }
0x30: {  	s3 =	sld [smem:$0x3FAF]  }
0x31: {  	[smem:$0x3FB8] =	sst s10  }
0x32: {  	s10 =	sld [smem:$0x3FB6];
	_ =	sdelay $0x3  }
0x33: {  	p0 =	seq.s32 s10, $0x1;
	s10 =	sld [smem:$0x3FB8];
	_ =	sdelay $0x3  }
0x34: {  	[smem:$0x3FB8] =	sst s10  }
0x35: {  	s10 =	sld [smem:$0x3FB7];
	_ =	sdelay $0x3  }
0x36: {  	p1 =	seq.s32 s10, $0x1;
	s10 =	sld [smem:$0x3FB8];
	_ =	sdelay $0x3  }
0x37: {  	[smem:$0x3FB8] =	sst s10  }
0x38: {  	s10 =	sld [smem:$0x3FB9]  }
0x39: {  	_ = 	snop;
	(pc) =	sbr.ind lr, $3  }
0x3a: {  	_ = 	snop  }
0x3b: {  	_ = 	snop  }
0x3c: {  	p2 =	seq.s32 s10, $0x1;
	s10 =	sld [smem:$0x3FB8]  }
0x3d: {  	_ =	shalt  }
0x3e: {  	_ =	shalt  }
0x3f: {  	_ =	shalt  }
0x40: {  	_ =	shalt  }
0x41: {  	_ =	shalt  }
0x42: {  	_ =	shalt  }
0x43: {  	_ =	shalt  }
0x44: {  	_ =	shalt  }
0x45: {  	_ =	shalt  }
0x46: {  	_ =	shalt  }
0x47: {  	_ =	shalt  }
0x48: {  	_ =	shalt  }
0x49: {  	_ =	shalt  }
0x4a: {  	_ =	shalt  }
0x4b: {  	_ =	shalt  }
0x4c: {  	_ =	shalt  }
0x4d: {  	_ =	shalt  }
0x4e: {  	_ =	shalt  }
0x4f: {  	_ =	shalt  }
0x50: {  	_ =	shalt  }
0x51: {  	_ =	shalt  }
0x52: {  	_ =	shalt  }
0x53: {  	_ =	shalt  }
0x54: {  	_ =	shalt  }
0x55: {  	_ =	shalt  }
0x56: {  	_ =	shalt  }
0x57: {  	_ =	shalt  }
0x58: {  	_ =	shalt  }
0x59: {  	_ =	shalt  }
0x5a: {  	_ =	shalt  }
0x5b: {  	_ =	shalt  }
0x5c: {  	_ =	shalt  }
0x5d: {  	_ =	shalt  }
0x5e: {  	_ =	shalt  }
0x5f: {  	_ =	shalt  }
0x60: {  	_ =	shalt  }
0x61: {  	_ =	shalt  }
0x62: {  	_ =	shalt  }
0x63: {  	_ =	shalt  }
0x64: {  	_ =	shalt  }
0x65: {  	_ =	shalt  }
0x66: {  	_ =	shalt  }
0x67: {  	_ =	shalt  }
0x68: {  	_ =	shalt  }
0x69: {  	_ =	shalt  }
0x6a: {  	_ =	shalt  }
0x6b: {  	_ =	shalt  }
0x6c: {  	_ =	shalt  }
0x6d: {  	_ =	shalt  }
0x6e: {  	_ =	shalt  }
0x6f: {  	_ =	shalt  }
0x70: {  	_ =	shalt  }
0x71: {  	_ =	shalt  }
0x72: {  	_ =	shalt  }
0x73: {  	_ =	shalt  }
0x74: {  	_ =	shalt  }
0x75: {  	_ =	shalt  }
0x76: {  	_ =	shalt  }
0x77: {  	_ =	shalt  }
0x78: {  	_ =	shalt  }
0x79: {  	_ =	shalt  }
0x7a: {  	_ =	shalt  }
0x7b: {  	_ =	shalt  }
0x7c: {  	_ =	shalt  }
0x7d: {  	_ =	shalt  }
0x7e: {  	_ =	shalt  }
0x7f: {  	_ =	shalt  }
0x80: {  	_ =	shalt  }
0x81: {  	_ =	shalt  }
0x82: {  	_ =	shalt  }
0x83: {  	_ =	shalt  }
0x84: {  	_ =	shalt  }
0x85: {  	_ =	shalt  }
0x86: {  	_ =	shalt  }
0x87: {  	_ =	shalt  }
.Lfunc_end0:
.L_simem_size_0:
called_computation_lowered:
.L_overlay_start_0:
0x88: {  	s2 =	sld [smem:$0x3FD9]  }
0x89: {  	s3 =	sld [smem:$0x3FFE];
	_ =	sdelay $0x1  }
0x8a: {  	s1 =	srdreg.scid  }
0x8b: {  	s0 =	sand.u32 $0x1, s1  }
0x8c: {  	s17 =	sshll.u32 s0, $0xA;
	s2 =	sadd.s32 s3, s2  }
0x8d: {  	s2 =	sadd.s32 s2, s17  }
0x8e: {  	[smem:$0x3FC4] =	sst s2  }
0x8f: {  	_ = 	snop  }
0x90: {  	s2 =	sld [smem:$0x3FC7]  }
0x91: {  	s18 =	sld [smem:$0x3FD0];
	(tm) =	ssettm $0x1  }
0x92: {  	s4 =	sld [smem:$0x3FFB];
	_ =	sdelay $0x3  }
0x93: {  	_ =	strace s4  }
0x94: {  	s4 =	sld [smem:$0x3FFC];
	_ =	sdelay $0x3  }
0x95: {  	_ =	strace s4  }
0x96: {  	s4 =	sld [smem:$0x3FFD];
	_ =	sdelay $0x3  }
0x97: {  	_ =	strace s4  }
0x98: {  	_ =	strace $0x8FFFFFFF  }
0x99: {  	s19 =	sld [smem:$0x3FDB];
	_ =	sdelay $0x1  }
0x9a: {  	s5 =	simm.s32 $_scs_section_size  }
0x9b: {  	s6 =	simm.s32 $_size__tile_overlayer_lowered;
	s7 =	simm.s32 $_tile_overlayer_lowered  }
0x9c: {  	s22 =	simm.s32 $0x1BFF;
	s21 =	sshll.u32 s7, $0x1;
	s4 =	sadd.s32 s5, s19  }
0x9d: {  	s8 =	simm.s32 $0x0;
	s20 =	sshll.u32 s6, $0x1;
	s6 =	sadd.s32 s21, s4  }
0x9e: {  	[timem:s8], [sflag:s22] =	dma.local [hbm:s6], s20  }
0x9f: {  	_ =	swait.ge [sflag:s22], s20  }
0xa0: {  	s5 =	ssub.s32 $0x0, s20;
	[sflag:s22] =	ssyncset.done $0x0  }
0xa1: {  	[sflag:s22] =	ssyncadd.s32 s5;
	_ =	sdelay $0x1  }
0xa2: {  	s23 =	simm.s32 $0x1B8B  }
0xa3: {  	_ =	swait.ge [sflag:s23], $0x1  }
0xa4: {  	[sflag:s23] =	ssyncset.done $0x0  }
0xa5: {  	s25 =	simm.s32 $0x1B8E;
	s24 =	sld [smem:$0x3FFE];
	[sflag:s23] =	ssyncadd.s32 $0xFFFFFFFF  }
0xa6: {  	s26 =	simm.s32 $execute0_lowered;
	[smem:$0x3FD2] =	sst s25  }
0xa7: {  	s6 =	sshll.u32 s26, $0x1;
	_ =	strace $0x80000046;
	[dreg:$0x1] =	wrdreg $0xFFFFFFFF  }
0xa8: {  	s28 =	simm.s32 $_size_execute0_lowered;
	s4 =	sadd.s32 s4, s6;
	[dreg:$0x0] =	wrdreg $0x0  }
0xa9: {  	s6 =	sshll.u32 s28, $0x1;
	[dreg:$0x2] =	wrdreg s4  }
0xaa: {  	[dreg:$0x3] =	wrdreg s6  }
0xab: {  	[dreg:$0x4] =	wrdreg $0xC0  }
0xac: {  	_ =	task [dreg:s8], $0x5FFFF  }
0xad: {  	[dreg:$0x1] =	wrdreg $0xFFFFFFFF  }
0xae: {  	[dreg:$0x0] =	wrdreg $0x60  }
0xaf: {  	[dreg:$0x2] =	wrdreg s24  }
0xb0: {  	[dreg:$0x3] =	wrdreg s2  }
0xb1: {  	[dreg:$0x4] =	wrdreg s18  }
0xb2: {  	[dreg:$0x5] =	wrdreg $0x9  }
0xb3: {  	_ =	task.clear_ibuf [dreg:s8], $0x6FFFF;
	_ =	strace $0x90000046  }
0xb4: {  	s29 =	simm.s32 $0x9;
	_ =	strace $0x80000048  }
0xb5: {  	_ =	swait.ge [sflag:s29], $0x1  }
0xb6: {  	[sflag:s29] =	ssyncadd.s32 $0xFFFFFFFF  }
0xb7: {  	_ =	strace $0x90000048  }
0xb8: {  	_ =	sfence  }
0xb9: {  	s30 =	sld [smem:$0x0];
	_ =	sdelay $0x2  }
0xba: {  	s31 =	sshll.u32 s1, $0xD;
	s1 =	sshrl.u32 s1, $0x2  }
0xbb: {  	s3 =	sand.u32 $0x4000, s31;
	s1 =	sadd.s32 s1, s30  }
0xbc: {  	s0 =	sor.u32 s3, s0;
	s1 =	sshll.u32 s1, $0x11  }
0xbd: {  	s0 =	sor.u32 s1, s0  }
0xbe: {  	s0 =	sadd.s32 $0x8F2B, s0  }
0xbf: {  	[sflag:s0] =	ssyncadd.remote.s32 $0x1  }
0xc0: {  	_ =	sfence.sel $0xFFFF  }
0xc1: {  	[dreg:$0x0] =	wrdreg $0xFFFFFFFF;
	(pc) =	sbr.abs _section_cstart, $3  }
0xc2: {  	[dreg:$0x1] =	wrdreg $0xFFFFFFFF  }
0xc3: {  	_ =	task.clear_ibuf [dreg:s8], $0x2FFFF;
	_ =	strace $0x9FFFFFFF  }
0xc4: {  	(tm) =	ssettm $0x7FFFFFFF  }
0xc5: {  	_ =	shalt  }
tec
execute0_lowered:
.L_overlay_start_1:
0x0: {  	(tag) =	ssettag $0x1  }
0x1: {  	s3 =	rddreg [dreg:$0x0]  }
0x2: {  	s5 =	rddreg [dreg:$0x1]  }
0x3: {  	s6 =	rddreg [dreg:$0x2]  }
0x4: {  	s0 =	rddreg [dreg:$0x3]  }
0x5: {  	s4 =	srdreg.scid;
	s1 =	stileid.u32  }
0x6: {  	s2 =	simm.s32 $0x0;
	s11 =	simm.s32 $0x2;
	s12 =	simm.s32 $0x3  }
0x7: {  	s13 =	simm.s32 $0x3000;
	s4 =	sand.u32 $0x1, s4;
	s7 =	sshll.u32 s1, $0x8  }
0x8: {  	s14 =	simm.s32 $0x4;
	s8 =	sshll.u32 s4, $0xC;
	s9 =	sand.u32 $0xC00, s7  }
0x9: {  	[smem:$0x7FF] =	sst s2;
	s4 =	ssub.s32 $0x2, s4;
	s8 =	sor.u32 s9, s8  }
0xa: {  	v0 =	vlaneseq.u32;
	s7 =	sand.u32 $0x300, s7;
	s30 =	sshrl.u32 s4, $0x1;
	s9 =	sadd.s32 s8, s3  }
0xb: {  	v3 =	vmul.u32 $0x80, v0;
	_ =	strace $0x80000047;
	s10 =	ssub.s32 s4, s30;
	s31 =	sadd.s32 s7, s9  }
0xc: {  	s7 =	sor.u32 s7, s8;
	s4 =	sadd.s32 $0x3000, s9;
	s8 =	simm.s32 $0x800  }
0xd: {  	v0 =	vor.u32 $0x1, v3;
	s9 =	simm.s32 $0x2800;
	s3 =	sadd.s32 $0x1000, s31;
	s5 =	sadd.s32 s5, s7  }
0xe: {  	v1 =	vor.u32 $0x801, v3;
	v2 =	vor.u32 $0x1001, v3;
	v3 =	vor.u32 $0x1801, v3;
	s6 =	sadd.s32 s6, s7;
	s7 =	smax.u32 s10, $0x1;
	s10 =	simm.s32 $0x1  }
.LBB2_1:
0xf: {  	[tilespmem:s2], [sflag:$0x1] =	stream.linear.gather [hbm4b:s3+s2], $0x800, $0x38;
	[tilespmem:$0x3800] =	vst v63  }
0x10: {  	_ = 	snop  }
0x11: {  	[tilespmem:s8], [sflag:$0x2] =	stream.linear.gather [hbm4b:s4+s2], $0x2000, $0x38;
	[tilespmem:$0x3800] =	vst v63  }
0x12: {  	_ = 	snop  }
0x13: {  	[tilespmem:s9], [sflag:$0x3] =	stream.linear.gather [hbm4b:s5+s2], $0x800, $0x38;
	[tilespmem:$0x3800] =	vst v63  }
0x14: {  	_ =	swait.ge [sflag:s10], $0x800  }
0x15: {  	[sflag:s10] =	ssyncset.done $0x0  }
0x16: {  	[sflag:s10] =	ssyncadd.s32 $0xFFFFF800  }
0x17: {  	_ =	swait.ge [sflag:s11], $0x2000  }
0x18: {  	[sflag:s11] =	ssyncset.done $0x0  }
0x19: {  	[sflag:s11] =	ssyncadd.s32 $0xFFFFE000  }
0x1a: {  	_ =	swait.ge [sflag:s12], $0x800  }
0x1b: {  	[sflag:s12] =	ssyncset.done $0x0  }
0x1c: {  	[sflag:s12] =	ssyncadd.s32 $0xFFFFF800  }
0x1d: {  	v4 =	vld [tilespmem:$0x2800];
	_ =	sdelay $0x4  }
0x1e: {  	v4 =	vshll.u32 v4, $0x1  }
0x1f: {  	v5 =	vadd.s32 v0, v4;
	_ =	sdelay $0x2  }
0x20: {  	v6 =	vld [tilespmem:$0x2810]  }
0x21: {  	v4 =	vld.idx.msk [tilespmem:v4+s2+$0x0], $0xffff  }
0x22: {  	v5 =	vld.idx.msk [tilespmem:v5+s8+$0x0], $0xffff;
	_ =	sdelay $0x4  }
0x23: {  	v4 =	vadd.f32 v4, v5;
	v5 =	vshll.u32 v6, $0x1  }
0x24: {  	v6 =	vadd.s32 v1, v5  }
0x25: {  	v7 =	vmul.f32 $2.000000030e-01, v4  }
0x26: {  	vm0 =	vge.f32 v4, $0.0e+00  }
0x27: {  	v4 =	vsel vm0, v4, v7  }
0x28: {  	v50 =	vld [tilespmem:$0x2820];
	[tilespmem:$0x3000] =	vst v4  }
0x29: {  	v4 =	vld.idx.msk [tilespmem:v6+s8+$0x0], $0xffff  }
0x2a: {  	v5 =	vld.idx.msk [tilespmem:v5+s2+$0x0], $0xffff;
	_ =	sdelay $0x4  }
0x2b: {  	v4 =	vadd.f32 v5, v4;
	v5 =	vshll.u32 v50, $0x1  }
0x2c: {  	v6 =	vadd.s32 v2, v5  }
0x2d: {  	v51 =	vmul.f32 $2.000000030e-01, v4  }
0x2e: {  	vm13 =	vge.f32 v4, $0.0e+00  }
0x2f: {  	v4 =	vsel vm13, v4, v51  }
0x30: {  	v52 =	vld [tilespmem:$0x2830];
	[tilespmem:$0x3010] =	vst v4  }
0x31: {  	v4 =	vld.idx.msk [tilespmem:v6+s8+$0x0], $0xffff  }
0x32: {  	v5 =	vld.idx.msk [tilespmem:v5+s2+$0x0], $0xffff;
	_ =	sdelay $0x4  }
0x33: {  	v4 =	vadd.f32 v5, v4;
	v5 =	vshll.u32 v52, $0x1  }
0x34: {  	v6 =	vadd.s32 v3, v5  }
0x35: {  	v53 =	vmul.f32 $2.000000030e-01, v4  }
0x36: {  	vm14 =	vge.f32 v4, $0.0e+00  }
0x37: {  	v4 =	vsel vm14, v4, v53  }
0x38: {  	v54 =	vld [tilespmem:$0x2880];
	[tilespmem:$0x3020] =	vst v4  }
0x39: {  	v4 =	vld.idx.msk [tilespmem:v6+s8+$0x0], $0xffff  }
0x3a: {  	v5 =	vld.idx.msk [tilespmem:v5+s2+$0x0], $0xffff;
	_ =	sdelay $0x4  }
0x3b: {  	v4 =	vadd.f32 v5, v4;
	v5 =	vshll.u32 v54, $0x1  }
0x3c: {  	v6 =	vadd.s32 v0, v5  }
0x3d: {  	v5 =	vadd.s32 $0x80, v5;
	v55 =	vmul.f32 $2.000000030e-01, v4  }
0x3e: {  	vm15 =	vge.f32 v4, $0.0e+00  }
0x3f: {  	v4 =	vsel vm15, v4, v55  }
0x40: {  	v56 =	vld [tilespmem:$0x2890];
	[tilespmem:$0x3030] =	vst v4  }
0x41: {  	v4 =	vld.idx.msk [tilespmem:v6+s8+$0x0], $0xffff  }
0x42: {  	v5 =	vld.idx.msk [tilespmem:v5+s2+$0x0], $0xffff;
	_ =	sdelay $0x4  }
0x43: {  	v4 =	vadd.f32 v5, v4;
	v5 =	vshll.u32 v56, $0x1  }
0x44: {  	v6 =	vadd.s32 v1, v5  }
0x45: {  	v5 =	vadd.s32 $0x80, v5;
	v57 =	vmul.f32 $2.000000030e-01, v4  }
0x46: {  	vm4 =	vge.f32 v4, $0.0e+00  }
0x47: {  	v4 =	vsel vm4, v4, v57  }
0x48: {  	v58 =	vld [tilespmem:$0x28A0];
	[tilespmem:$0x3080] =	vst v4  }
0x49: {  	v4 =	vld.idx.msk [tilespmem:v6+s8+$0x0], $0xffff  }
0x4a: {  	v5 =	vld.idx.msk [tilespmem:v5+s2+$0x0], $0xffff;
	_ =	sdelay $0x4  }
0x4b: {  	v4 =	vadd.f32 v5, v4;
	v5 =	vshll.u32 v58, $0x1  }
0x4c: {  	v6 =	vadd.s32 v2, v5  }
0x4d: {  	v5 =	vadd.s32 $0x80, v5;
	v59 =	vmul.f32 $2.000000030e-01, v4  }
0x4e: {  	vm5 =	vge.f32 v4, $0.0e+00  }
0x4f: {  	v4 =	vsel vm5, v4, v59  }
0x50: {  	v60 =	vld [tilespmem:$0x28B0];
	[tilespmem:$0x3090] =	vst v4  }
0x51: {  	v4 =	vld.idx.msk [tilespmem:v6+s8+$0x0], $0xffff  }
0x52: {  	v5 =	vld.idx.msk [tilespmem:v5+s2+$0x0], $0xffff;
	_ =	sdelay $0x4  }
0x53: {  	v4 =	vadd.f32 v5, v4;
	v5 =	vshll.u32 v60, $0x1  }
0x54: {  	v6 =	vadd.s32 v3, v5  }
0x55: {  	v5 =	vadd.s32 $0x80, v5;
	v61 =	vmul.f32 $2.000000030e-01, v4  }
0x56: {  	vm6 =	vge.f32 v4, $0.0e+00  }
0x57: {  	v4 =	vsel vm6, v4, v61  }
0x58: {  	v62 =	vld [tilespmem:$0x2900];
	[tilespmem:$0x30A0] =	vst v4  }
0x59: {  	v4 =	vld.idx.msk [tilespmem:v6+s8+$0x0], $0xffff  }
0x5a: {  	v5 =	vld.idx.msk [tilespmem:v5+s2+$0x0], $0xffff;
	_ =	sdelay $0x4  }
0x5b: {  	v4 =	vadd.f32 v5, v4;
	v5 =	vshll.u32 v62, $0x1  }
0x5c: {  	v6 =	vadd.s32 v0, v5  }
0x5d: {  	v5 =	vadd.s32 $0x100, v5;
	v63 =	vmul.f32 $2.000000030e-01, v4  }
0x5e: {  	vm7 =	vge.f32 v4, $0.0e+00  }
0x5f: {  	v4 =	vsel vm7, v4, v63  }
0x60: {  	v9 =	vld [tilespmem:$0x2910];
	[tilespmem:$0x30B0] =	vst v4  }
0x61: {  	v4 =	vld.idx.msk [tilespmem:v6+s8+$0x0], $0xffff  }
0x62: {  	v5 =	vld.idx.msk [tilespmem:v5+s2+$0x0], $0xffff;
	_ =	sdelay $0x4  }
0x63: {  	v4 =	vadd.f32 v5, v4;
	v5 =	vshll.u32 v9, $0x1  }
0x64: {  	v6 =	vadd.s32 v1, v5  }
0x65: {  	v5 =	vadd.s32 $0x100, v5;
	v10 =	vmul.f32 $2.000000030e-01, v4  }
0x66: {  	vm8 =	vge.f32 v4, $0.0e+00  }
0x67: {  	v4 =	vsel vm8, v4, v10  }
0x68: {  	v11 =	vld [tilespmem:$0x2920];
	[tilespmem:$0x3100] =	vst v4  }
0x69: {  	v4 =	vld.idx.msk [tilespmem:v6+s8+$0x0], $0xffff  }
0x6a: {  	v5 =	vld.idx.msk [tilespmem:v5+s2+$0x0], $0xffff;
	_ =	sdelay $0x4  }
0x6b: {  	v4 =	vadd.f32 v5, v4;
	v5 =	vshll.u32 v11, $0x1  }
0x6c: {  	v6 =	vadd.s32 v2, v5  }
0x6d: {  	v5 =	vadd.s32 $0x100, v5;
	v12 =	vmul.f32 $2.000000030e-01, v4  }
0x6e: {  	vm9 =	vge.f32 v4, $0.0e+00  }
0x6f: {  	v4 =	vsel vm9, v4, v12  }
0x70: {  	v13 =	vld [tilespmem:$0x2930];
	[tilespmem:$0x3110] =	vst v4  }
0x71: {  	v4 =	vld.idx.msk [tilespmem:v6+s8+$0x0], $0xffff  }
0x72: {  	v5 =	vld.idx.msk [tilespmem:v5+s2+$0x0], $0xffff;
	_ =	sdelay $0x4  }
0x73: {  	v4 =	vadd.f32 v5, v4;
	v5 =	vshll.u32 v13, $0x1  }
0x74: {  	v6 =	vadd.s32 v3, v5  }
0x75: {  	v5 =	vadd.s32 $0x100, v5;
	v14 =	vmul.f32 $2.000000030e-01, v4  }
0x76: {  	vm10 =	vge.f32 v4, $0.0e+00  }
0x77: {  	v4 =	vsel vm10, v4, v14  }
0x78: {  	v15 =	vld [tilespmem:$0x2980];
	[tilespmem:$0x3120] =	vst v4  }
0x79: {  	v4 =	vld.idx.msk [tilespmem:v6+s8+$0x0], $0xffff  }
0x7a: {  	v5 =	vld.idx.msk [tilespmem:v5+s2+$0x0], $0xffff;
	_ =	sdelay $0x4  }
0x7b: {  	v4 =	vadd.f32 v5, v4;
	v5 =	vshll.u32 v15, $0x1  }
0x7c: {  	v6 =	vadd.s32 v0, v5  }
0x7d: {  	v5 =	vadd.s32 $0x180, v5;
	v16 =	vmul.f32 $2.000000030e-01, v4  }
0x7e: {  	vm11 =	vge.f32 v4, $0.0e+00  }
0x7f: {  	v4 =	vsel vm11, v4, v16  }
0x80: {  	v17 =	vld [tilespmem:$0x2990];
	[tilespmem:$0x3130] =	vst v4  }
0x81: {  	v4 =	vld.idx.msk [tilespmem:v6+s8+$0x0], $0xffff  }
0x82: {  	v5 =	vld.idx.msk [tilespmem:v5+s2+$0x0], $0xffff;
	_ =	sdelay $0x4  }
0x83: {  	v4 =	vadd.f32 v5, v4;
	v5 =	vshll.u32 v17, $0x1  }
0x84: {  	v6 =	vadd.s32 v1, v5  }
0x85: {  	v5 =	vadd.s32 $0x180, v5;
	v18 =	vmul.f32 $2.000000030e-01, v4  }
0x86: {  	vm12 =	vge.f32 v4, $0.0e+00  }
0x87: {  	v4 =	vsel vm12, v4, v18  }
0x88: {  	v19 =	vld [tilespmem:$0x29A0];
	[tilespmem:$0x3180] =	vst v4  }
0x89: {  	v4 =	vld.idx.msk [tilespmem:v6+s8+$0x0], $0xffff  }
0x8a: {  	v5 =	vld.idx.msk [tilespmem:v5+s2+$0x0], $0xffff;
	_ =	sdelay $0x4  }
0x8b: {  	v4 =	vadd.f32 v5, v4;
	v5 =	vshll.u32 v19, $0x1  }
0x8c: {  	v6 =	vadd.s32 v2, v5  }
0x8d: {  	v5 =	vadd.s32 $0x180, v5;
	v20 =	vmul.f32 $2.000000030e-01, v4  }
0x8e: {  	vm13 =	vge.f32 v4, $0.0e+00  }
0x8f: {  	v4 =	vsel vm13, v4, v20  }
0x90: {  	v21 =	vld [tilespmem:$0x29B0];
	[tilespmem:$0x3190] =	vst v4  }
0x91: {  	v4 =	vld.idx.msk [tilespmem:v6+s8+$0x0], $0xffff  }
0x92: {  	v5 =	vld.idx.msk [tilespmem:v5+s2+$0x0], $0xffff;
	_ =	sdelay $0x4  }
0x93: {  	v4 =	vadd.f32 v5, v4;
	v5 =	vshll.u32 v21, $0x1  }
0x94: {  	v6 =	vadd.s32 v3, v5  }
0x95: {  	v5 =	vadd.s32 $0x180, v5;
	v22 =	vmul.f32 $2.000000030e-01, v4  }
0x96: {  	vm14 =	vge.f32 v4, $0.0e+00  }
0x97: {  	v4 =	vsel vm14, v4, v22  }
0x98: {  	v23 =	vld [tilespmem:$0x2A00];
	[tilespmem:$0x31A0] =	vst v4  }
0x99: {  	v4 =	vld.idx.msk [tilespmem:v6+s8+$0x0], $0xffff  }
0x9a: {  	v5 =	vld.idx.msk [tilespmem:v5+s2+$0x0], $0xffff;
	_ =	sdelay $0x4  }
0x9b: {  	v4 =	vadd.f32 v5, v4;
	v5 =	vshll.u32 v23, $0x1  }
0x9c: {  	v6 =	vadd.s32 v0, v5  }
0x9d: {  	v5 =	vadd.s32 $0x200, v5;
	v24 =	vmul.f32 $2.000000030e-01, v4  }
0x9e: {  	vm15 =	vge.f32 v4, $0.0e+00  }
0x9f: {  	v4 =	vsel vm15, v4, v24  }
0xa0: {  	v25 =	vld [tilespmem:$0x2A10];
	[tilespmem:$0x31B0] =	vst v4  }
0xa1: {  	v4 =	vld.idx.msk [tilespmem:v6+s8+$0x0], $0xffff  }
0xa2: {  	v5 =	vld.idx.msk [tilespmem:v5+s2+$0x0], $0xffff;
	_ =	sdelay $0x4  }
0xa3: {  	v4 =	vadd.f32 v5, v4;
	v5 =	vshll.u32 v25, $0x1  }
0xa4: {  	v6 =	vadd.s32 v1, v5  }
0xa5: {  	v5 =	vadd.s32 $0x200, v5;
	v26 =	vmul.f32 $2.000000030e-01, v4  }
0xa6: {  	vm4 =	vge.f32 v4, $0.0e+00  }
0xa7: {  	v4 =	vsel vm4, v4, v26  }
0xa8: {  	v27 =	vld [tilespmem:$0x2A20];
	[tilespmem:$0x3200] =	vst v4  }
0xa9: {  	v4 =	vld.idx.msk [tilespmem:v6+s8+$0x0], $0xffff  }
0xaa: {  	v5 =	vld.idx.msk [tilespmem:v5+s2+$0x0], $0xffff;
	_ =	sdelay $0x4  }
0xab: {  	v4 =	vadd.f32 v5, v4;
	v5 =	vshll.u32 v27, $0x1  }
0xac: {  	v6 =	vadd.s32 v2, v5  }
0xad: {  	v5 =	vadd.s32 $0x200, v5;
	v28 =	vmul.f32 $2.000000030e-01, v4  }
0xae: {  	vm5 =	vge.f32 v4, $0.0e+00  }
0xaf: {  	v4 =	vsel vm5, v4, v28  }
0xb0: {  	v29 =	vld [tilespmem:$0x2A30];
	[tilespmem:$0x3210] =	vst v4  }
0xb1: {  	v4 =	vld.idx.msk [tilespmem:v6+s8+$0x0], $0xffff  }
0xb2: {  	v5 =	vld.idx.msk [tilespmem:v5+s2+$0x0], $0xffff;
	_ =	sdelay $0x4  }
0xb3: {  	v4 =	vadd.f32 v5, v4;
	v5 =	vshll.u32 v29, $0x1  }
0xb4: {  	v6 =	vadd.s32 v3, v5  }
0xb5: {  	v5 =	vadd.s32 $0x200, v5;
	v30 =	vmul.f32 $2.000000030e-01, v4  }
0xb6: {  	vm6 =	vge.f32 v4, $0.0e+00  }
0xb7: {  	v4 =	vsel vm6, v4, v30  }
0xb8: {  	v31 =	vld [tilespmem:$0x2A80];
	[tilespmem:$0x3220] =	vst v4  }
0xb9: {  	v4 =	vld.idx.msk [tilespmem:v6+s8+$0x0], $0xffff  }
0xba: {  	v5 =	vld.idx.msk [tilespmem:v5+s2+$0x0], $0xffff;
	_ =	sdelay $0x4  }
0xbb: {  	v4 =	vadd.f32 v5, v4;
	v5 =	vshll.u32 v31, $0x1  }
0xbc: {  	v6 =	vadd.s32 v0, v5  }
0xbd: {  	v5 =	vadd.s32 $0x280, v5;
	v32 =	vmul.f32 $2.000000030e-01, v4  }
0xbe: {  	vm7 =	vge.f32 v4, $0.0e+00  }
0xbf: {  	v4 =	vsel vm7, v4, v32  }
0xc0: {  	v33 =	vld [tilespmem:$0x2A90];
	[tilespmem:$0x3230] =	vst v4  }
0xc1: {  	v4 =	vld.idx.msk [tilespmem:v6+s8+$0x0], $0xffff  }
0xc2: {  	v5 =	vld.idx.msk [tilespmem:v5+s2+$0x0], $0xffff;
	_ =	sdelay $0x4  }
0xc3: {  	v4 =	vadd.f32 v5, v4;
	v5 =	vshll.u32 v33, $0x1  }
0xc4: {  	v6 =	vadd.s32 v1, v5  }
0xc5: {  	v5 =	vadd.s32 $0x280, v5;
	v34 =	vmul.f32 $2.000000030e-01, v4  }
0xc6: {  	vm8 =	vge.f32 v4, $0.0e+00  }
0xc7: {  	v4 =	vsel vm8, v4, v34  }
0xc8: {  	v35 =	vld [tilespmem:$0x2AA0];
	[tilespmem:$0x3280] =	vst v4  }
0xc9: {  	v4 =	vld.idx.msk [tilespmem:v6+s8+$0x0], $0xffff  }
0xca: {  	v5 =	vld.idx.msk [tilespmem:v5+s2+$0x0], $0xffff;
	_ =	sdelay $0x4  }
0xcb: {  	v4 =	vadd.f32 v5, v4;
	v5 =	vshll.u32 v35, $0x1  }
0xcc: {  	v6 =	vadd.s32 v2, v5  }
0xcd: {  	v5 =	vadd.s32 $0x280, v5;
	v36 =	vmul.f32 $2.000000030e-01, v4  }
0xce: {  	vm9 =	vge.f32 v4, $0.0e+00  }
0xcf: {  	v4 =	vsel vm9, v4, v36  }
0xd0: {  	v37 =	vld [tilespmem:$0x2AB0];
	[tilespmem:$0x3290] =	vst v4  }
0xd1: {  	v4 =	vld.idx.msk [tilespmem:v6+s8+$0x0], $0xffff  }
0xd2: {  	v5 =	vld.idx.msk [tilespmem:v5+s2+$0x0], $0xffff;
	_ =	sdelay $0x4  }
0xd3: {  	v4 =	vadd.f32 v5, v4;
	v5 =	vshll.u32 v37, $0x1  }
0xd4: {  	v6 =	vadd.s32 v3, v5  }
0xd5: {  	v5 =	vadd.s32 $0x280, v5;
	v38 =	vmul.f32 $2.000000030e-01, v4  }
0xd6: {  	vm10 =	vge.f32 v4, $0.0e+00  }
0xd7: {  	v4 =	vsel vm10, v4, v38  }
0xd8: {  	v39 =	vld [tilespmem:$0x2B00];
	[tilespmem:$0x32A0] =	vst v4  }
0xd9: {  	v4 =	vld.idx.msk [tilespmem:v6+s8+$0x0], $0xffff  }
0xda: {  	v5 =	vld.idx.msk [tilespmem:v5+s2+$0x0], $0xffff;
	_ =	sdelay $0x4  }
0xdb: {  	v4 =	vadd.f32 v5, v4;
	v5 =	vshll.u32 v39, $0x1  }
0xdc: {  	v6 =	vadd.s32 v0, v5  }
0xdd: {  	v5 =	vadd.s32 $0x300, v5;
	v40 =	vmul.f32 $2.000000030e-01, v4  }
0xde: {  	vm11 =	vge.f32 v4, $0.0e+00  }
0xdf: {  	v4 =	vsel vm11, v4, v40  }
0xe0: {  	v41 =	vld [tilespmem:$0x2B10];
	[tilespmem:$0x32B0] =	vst v4  }
0xe1: {  	v4 =	vld.idx.msk [tilespmem:v6+s8+$0x0], $0xffff  }
0xe2: {  	v5 =	vld.idx.msk [tilespmem:v5+s2+$0x0], $0xffff;
	_ =	sdelay $0x4  }
0xe3: {  	v4 =	vadd.f32 v5, v4;
	v5 =	vshll.u32 v41, $0x1  }
0xe4: {  	v6 =	vadd.s32 v1, v5  }
0xe5: {  	v5 =	vadd.s32 $0x300, v5;
	v42 =	vmul.f32 $2.000000030e-01, v4  }
0xe6: {  	vm12 =	vge.f32 v4, $0.0e+00  }
0xe7: {  	v4 =	vsel vm12, v4, v42  }
0xe8: {  	v43 =	vld [tilespmem:$0x2B20];
	[tilespmem:$0x3300] =	vst v4  }
0xe9: {  	v4 =	vld.idx.msk [tilespmem:v6+s8+$0x0], $0xffff  }
0xea: {  	v5 =	vld.idx.msk [tilespmem:v5+s2+$0x0], $0xffff;
	_ =	sdelay $0x4  }
0xeb: {  	v4 =	vadd.f32 v5, v4;
	v5 =	vshll.u32 v43, $0x1  }
0xec: {  	v6 =	vadd.s32 v2, v5  }
0xed: {  	v5 =	vadd.s32 $0x300, v5;
	v44 =	vmul.f32 $2.000000030e-01, v4  }
0xee: {  	vm13 =	vge.f32 v4, $0.0e+00  }
0xef: {  	v4 =	vsel vm13, v4, v44  }
0xf0: {  	v45 =	vld [tilespmem:$0x2B30];
	[tilespmem:$0x3310] =	vst v4  }
0xf1: {  	v4 =	vld.idx.msk [tilespmem:v6+s8+$0x0], $0xffff  }
0xf2: {  	v5 =	vld.idx.msk [tilespmem:v5+s2+$0x0], $0xffff;
	_ =	sdelay $0x4  }
0xf3: {  	v4 =	vadd.f32 v5, v4;
	v5 =	vshll.u32 v45, $0x1  }
0xf4: {  	v6 =	vadd.s32 v3, v5  }
0xf5: {  	v5 =	vadd.s32 $0x300, v5;
	v46 =	vmul.f32 $2.000000030e-01, v4  }
0xf6: {  	vm14 =	vge.f32 v4, $0.0e+00  }
0xf7: {  	v4 =	vsel vm14, v4, v46  }
0xf8: {  	v47 =	vld [tilespmem:$0x2B80];
	[tilespmem:$0x3320] =	vst v4  }
0xf9: {  	v4 =	vld.idx.msk [tilespmem:v6+s8+$0x0], $0xffff  }
0xfa: {  	v5 =	vld.idx.msk [tilespmem:v5+s2+$0x0], $0xffff;
	_ =	sdelay $0x4  }
0xfb: {  	v4 =	vadd.f32 v5, v4;
	v5 =	vshll.u32 v47, $0x1  }
0xfc: {  	v6 =	vadd.s32 v0, v5  }
0xfd: {  	v5 =	vadd.s32 $0x380, v5;
	v48 =	vmul.f32 $2.000000030e-01, v4  }
0xfe: {  	vm15 =	vge.f32 v4, $0.0e+00  }
0xff: {  	v4 =	vsel vm15, v4, v48  }
0x100: {  	v49 =	vld [tilespmem:$0x2B90];
	[tilespmem:$0x3330] =	vst v4  }
0x101: {  	v4 =	vld.idx.msk [tilespmem:v6+s8+$0x0], $0xffff  }
0x102: {  	v5 =	vld.idx.msk [tilespmem:v5+s2+$0x0], $0xffff;
	_ =	sdelay $0x4  }
0x103: {  	v4 =	vadd.f32 v5, v4;
	v5 =	vshll.u32 v49, $0x1  }
0x104: {  	v6 =	vadd.s32 v1, v5  }
0x105: {  	v5 =	vadd.s32 $0x380, v5;
	v50 =	vmul.f32 $2.000000030e-01, v4  }
0x106: {  	vm4 =	vge.f32 v4, $0.0e+00  }
0x107: {  	v4 =	vsel vm4, v4, v50  }
0x108: {  	v51 =	vld [tilespmem:$0x2BA0];
	[tilespmem:$0x3380] =	vst v4  }
0x109: {  	v4 =	vld.idx.msk [tilespmem:v6+s8+$0x0], $0xffff  }
0x10a: {  	v5 =	vld.idx.msk [tilespmem:v5+s2+$0x0], $0xffff;
	_ =	sdelay $0x4  }
0x10b: {  	v4 =	vadd.f32 v5, v4;
	v5 =	vshll.u32 v51, $0x1  }
0x10c: {  	v6 =	vadd.s32 v2, v5  }
0x10d: {  	v5 =	vadd.s32 $0x380, v5;
	v52 =	vmul.f32 $2.000000030e-01, v4  }
0x10e: {  	vm5 =	vge.f32 v4, $0.0e+00  }
0x10f: {  	v4 =	vsel vm5, v4, v52  }
0x110: {  	v53 =	vld [tilespmem:$0x2BB0];
	[tilespmem:$0x3390] =	vst v4  }
0x111: {  	v4 =	vld.idx.msk [tilespmem:v6+s8+$0x0], $0xffff  }
0x112: {  	v5 =	vld.idx.msk [tilespmem:v5+s2+$0x0], $0xffff;
	_ =	sdelay $0x4  }
0x113: {  	v4 =	vadd.f32 v5, v4;
	v5 =	vshll.u32 v53, $0x1  }
0x114: {  	v6 =	vadd.s32 v3, v5  }
0x115: {  	v5 =	vadd.s32 $0x380, v5;
	v54 =	vmul.f32 $2.000000030e-01, v4  }
0x116: {  	vm6 =	vge.f32 v4, $0.0e+00  }
0x117: {  	v4 =	vsel vm6, v4, v54  }
0x118: {  	v55 =	vld [tilespmem:$0x2C00];
	[tilespmem:$0x33A0] =	vst v4  }
0x119: {  	v4 =	vld.idx.msk [tilespmem:v6+s8+$0x0], $0xffff  }
0x11a: {  	v5 =	vld.idx.msk [tilespmem:v5+s2+$0x0], $0xffff;
	_ =	sdelay $0x4  }
0x11b: {  	v4 =	vadd.f32 v5, v4;
	v5 =	vshll.u32 v55, $0x1  }
0x11c: {  	v6 =	vadd.s32 v0, v5  }
0x11d: {  	v5 =	vadd.s32 $0x400, v5;
	v56 =	vmul.f32 $2.000000030e-01, v4  }
0x11e: {  	vm7 =	vge.f32 v4, $0.0e+00  }
0x11f: {  	v4 =	vsel vm7, v4, v56  }
0x120: {  	v57 =	vld [tilespmem:$0x2C10];
	[tilespmem:$0x33B0] =	vst v4  }
0x121: {  	v4 =	vld.idx.msk [tilespmem:v6+s8+$0x0], $0xffff  }
0x122: {  	v5 =	vld.idx.msk [tilespmem:v5+s2+$0x0], $0xffff;
	_ =	sdelay $0x4  }
0x123: {  	v4 =	vadd.f32 v5, v4;
	v5 =	vshll.u32 v57, $0x1  }
0x124: {  	v6 =	vadd.s32 v1, v5  }
0x125: {  	v5 =	vadd.s32 $0x400, v5;
	v58 =	vmul.f32 $2.000000030e-01, v4  }
0x126: {  	vm8 =	vge.f32 v4, $0.0e+00  }
0x127: {  	v4 =	vsel vm8, v4, v58  }
0x128: {  	v59 =	vld [tilespmem:$0x2C20];
	[tilespmem:$0x3400] =	vst v4  }
0x129: {  	v4 =	vld.idx.msk [tilespmem:v6+s8+$0x0], $0xffff  }
0x12a: {  	v5 =	vld.idx.msk [tilespmem:v5+s2+$0x0], $0xffff;
	_ =	sdelay $0x4  }
0x12b: {  	v4 =	vadd.f32 v5, v4;
	v5 =	vshll.u32 v59, $0x1  }
0x12c: {  	v6 =	vadd.s32 v2, v5  }
0x12d: {  	v5 =	vadd.s32 $0x400, v5;
	v60 =	vmul.f32 $2.000000030e-01, v4  }
0x12e: {  	vm9 =	vge.f32 v4, $0.0e+00  }
0x12f: {  	v4 =	vsel vm9, v4, v60  }
0x130: {  	v61 =	vld [tilespmem:$0x2C30];
	[tilespmem:$0x3410] =	vst v4  }
0x131: {  	v4 =	vld.idx.msk [tilespmem:v6+s8+$0x0], $0xffff  }
0x132: {  	v5 =	vld.idx.msk [tilespmem:v5+s2+$0x0], $0xffff;
	_ =	sdelay $0x4  }
0x133: {  	v4 =	vadd.f32 v5, v4;
	v5 =	vshll.u32 v61, $0x1  }
0x134: {  	v6 =	vadd.s32 v3, v5  }
0x135: {  	v5 =	vadd.s32 $0x400, v5;
	v62 =	vmul.f32 $2.000000030e-01, v4  }
0x136: {  	vm10 =	vge.f32 v4, $0.0e+00  }
0x137: {  	v4 =	vsel vm10, v4, v62  }
0x138: {  	v63 =	vld [tilespmem:$0x2C80];
	[tilespmem:$0x3420] =	vst v4  }
0x139: {  	v4 =	vld.idx.msk [tilespmem:v6+s8+$0x0], $0xffff  }
0x13a: {  	v5 =	vld.idx.msk [tilespmem:v5+s2+$0x0], $0xffff;
	_ =	sdelay $0x4  }
0x13b: {  	v4 =	vadd.f32 v5, v4;
	v5 =	vshll.u32 v63, $0x1  }
0x13c: {  	v6 =	vadd.s32 v0, v5  }
0x13d: {  	v5 =	vadd.s32 $0x480, v5;
	v9 =	vmul.f32 $2.000000030e-01, v4  }
0x13e: {  	vm11 =	vge.f32 v4, $0.0e+00  }
0x13f: {  	v4 =	vsel vm11, v4, v9  }
0x140: {  	v10 =	vld [tilespmem:$0x2C90];
	[tilespmem:$0x3430] =	vst v4  }
0x141: {  	v4 =	vld.idx.msk [tilespmem:v6+s8+$0x0], $0xffff  }
0x142: {  	v5 =	vld.idx.msk [tilespmem:v5+s2+$0x0], $0xffff;
	_ =	sdelay $0x4  }
0x143: {  	v4 =	vadd.f32 v5, v4;
	v5 =	vshll.u32 v10, $0x1  }
0x144: {  	v6 =	vadd.s32 v1, v5  }
0x145: {  	v5 =	vadd.s32 $0x480, v5;
	v11 =	vmul.f32 $2.000000030e-01, v4  }
0x146: {  	vm12 =	vge.f32 v4, $0.0e+00  }
0x147: {  	v4 =	vsel vm12, v4, v11  }
0x148: {  	v12 =	vld [tilespmem:$0x2CA0];
	[tilespmem:$0x3480] =	vst v4  }
0x149: {  	v4 =	vld.idx.msk [tilespmem:v6+s8+$0x0], $0xffff  }
0x14a: {  	v5 =	vld.idx.msk [tilespmem:v5+s2+$0x0], $0xffff;
	_ =	sdelay $0x4  }
0x14b: {  	v4 =	vadd.f32 v5, v4;
	v5 =	vshll.u32 v12, $0x1  }
0x14c: {  	v6 =	vadd.s32 v2, v5  }
0x14d: {  	v5 =	vadd.s32 $0x480, v5;
	v13 =	vmul.f32 $2.000000030e-01, v4  }
0x14e: {  	vm13 =	vge.f32 v4, $0.0e+00  }
0x14f: {  	v4 =	vsel vm13, v4, v13  }
0x150: {  	v14 =	vld [tilespmem:$0x2CB0];
	[tilespmem:$0x3490] =	vst v4  }
0x151: {  	v4 =	vld.idx.msk [tilespmem:v6+s8+$0x0], $0xffff  }
0x152: {  	v5 =	vld.idx.msk [tilespmem:v5+s2+$0x0], $0xffff;
	_ =	sdelay $0x4  }
0x153: {  	v4 =	vadd.f32 v5, v4;
	v5 =	vshll.u32 v14, $0x1  }
0x154: {  	v6 =	vadd.s32 v3, v5  }
0x155: {  	v5 =	vadd.s32 $0x480, v5;
	v15 =	vmul.f32 $2.000000030e-01, v4  }
0x156: {  	vm14 =	vge.f32 v4, $0.0e+00  }
0x157: {  	v4 =	vsel vm14, v4, v15  }
0x158: {  	v16 =	vld [tilespmem:$0x2D00];
	[tilespmem:$0x34A0] =	vst v4  }
0x159: {  	v4 =	vld.idx.msk [tilespmem:v6+s8+$0x0], $0xffff  }
0x15a: {  	v5 =	vld.idx.msk [tilespmem:v5+s2+$0x0], $0xffff;
	_ =	sdelay $0x4  }
0x15b: {  	v4 =	vadd.f32 v5, v4;
	v5 =	vshll.u32 v16, $0x1  }
0x15c: {  	v6 =	vadd.s32 v0, v5  }
0x15d: {  	v5 =	vadd.s32 $0x500, v5;
	v17 =	vmul.f32 $2.000000030e-01, v4  }
0x15e: {  	vm15 =	vge.f32 v4, $0.0e+00  }
0x15f: {  	v4 =	vsel vm15, v4, v17  }
0x160: {  	v18 =	vld [tilespmem:$0x2D10];
	[tilespmem:$0x34B0] =	vst v4  }
0x161: {  	v4 =	vld.idx.msk [tilespmem:v6+s8+$0x0], $0xffff  }
0x162: {  	v5 =	vld.idx.msk [tilespmem:v5+s2+$0x0], $0xffff;
	_ =	sdelay $0x4  }
0x163: {  	v4 =	vadd.f32 v5, v4;
	v5 =	vshll.u32 v18, $0x1  }
0x164: {  	v6 =	vadd.s32 v1, v5  }
0x165: {  	v5 =	vadd.s32 $0x500, v5;
	v19 =	vmul.f32 $2.000000030e-01, v4  }
0x166: {  	vm4 =	vge.f32 v4, $0.0e+00  }
0x167: {  	v4 =	vsel vm4, v4, v19  }
0x168: {  	v20 =	vld [tilespmem:$0x2D20];
	[tilespmem:$0x3500] =	vst v4  }
0x169: {  	v4 =	vld.idx.msk [tilespmem:v6+s8+$0x0], $0xffff  }
0x16a: {  	v5 =	vld.idx.msk [tilespmem:v5+s2+$0x0], $0xffff;
	_ =	sdelay $0x4  }
0x16b: {  	v4 =	vadd.f32 v5, v4;
	v5 =	vshll.u32 v20, $0x1  }
0x16c: {  	v6 =	vadd.s32 v2, v5  }
0x16d: {  	v5 =	vadd.s32 $0x500, v5;
	v21 =	vmul.f32 $2.000000030e-01, v4  }
0x16e: {  	vm5 =	vge.f32 v4, $0.0e+00  }
0x16f: {  	v4 =	vsel vm5, v4, v21  }
0x170: {  	v22 =	vld [tilespmem:$0x2D30];
	[tilespmem:$0x3510] =	vst v4  }
0x171: {  	v4 =	vld.idx.msk [tilespmem:v6+s8+$0x0], $0xffff  }
0x172: {  	v5 =	vld.idx.msk [tilespmem:v5+s2+$0x0], $0xffff;
	_ =	sdelay $0x4  }
0x173: {  	v4 =	vadd.f32 v5, v4;
	v5 =	vshll.u32 v22, $0x1  }
0x174: {  	v6 =	vadd.s32 v3, v5  }
0x175: {  	v5 =	vadd.s32 $0x500, v5;
	v23 =	vmul.f32 $2.000000030e-01, v4  }
0x176: {  	vm6 =	vge.f32 v4, $0.0e+00  }
0x177: {  	v4 =	vsel vm6, v4, v23  }
0x178: {  	v24 =	vld [tilespmem:$0x2D80];
	[tilespmem:$0x3520] =	vst v4  }
0x179: {  	v4 =	vld.idx.msk [tilespmem:v6+s8+$0x0], $0xffff  }
0x17a: {  	v5 =	vld.idx.msk [tilespmem:v5+s2+$0x0], $0xffff;
	_ =	sdelay $0x4  }
0x17b: {  	v4 =	vadd.f32 v5, v4;
	v5 =	vshll.u32 v24, $0x1  }
0x17c: {  	v6 =	vadd.s32 v0, v5  }
0x17d: {  	v5 =	vadd.s32 $0x580, v5;
	v25 =	vmul.f32 $2.000000030e-01, v4  }
0x17e: {  	vm7 =	vge.f32 v4, $0.0e+00  }
0x17f: {  	v4 =	vsel vm7, v4, v25  }
0x180: {  	v26 =	vld [tilespmem:$0x2D90];
	[tilespmem:$0x3530] =	vst v4  }
0x181: {  	v4 =	vld.idx.msk [tilespmem:v6+s8+$0x0], $0xffff  }
0x182: {  	v5 =	vld.idx.msk [tilespmem:v5+s2+$0x0], $0xffff;
	_ =	sdelay $0x4  }
0x183: {  	v4 =	vadd.f32 v5, v4;
	v5 =	vshll.u32 v26, $0x1  }
0x184: {  	v6 =	vadd.s32 v1, v5  }
0x185: {  	v5 =	vadd.s32 $0x580, v5;
	v27 =	vmul.f32 $2.000000030e-01, v4  }
0x186: {  	vm8 =	vge.f32 v4, $0.0e+00  }
0x187: {  	v4 =	vsel vm8, v4, v27  }
0x188: {  	v28 =	vld [tilespmem:$0x2DA0];
	[tilespmem:$0x3580] =	vst v4  }
0x189: {  	v4 =	vld.idx.msk [tilespmem:v6+s8+$0x0], $0xffff  }
0x18a: {  	v5 =	vld.idx.msk [tilespmem:v5+s2+$0x0], $0xffff;
	_ =	sdelay $0x4  }
0x18b: {  	v4 =	vadd.f32 v5, v4;
	v5 =	vshll.u32 v28, $0x1  }
0x18c: {  	v6 =	vadd.s32 v2, v5  }
0x18d: {  	v5 =	vadd.s32 $0x580, v5;
	v29 =	vmul.f32 $2.000000030e-01, v4  }
0x18e: {  	vm9 =	vge.f32 v4, $0.0e+00  }
0x18f: {  	v4 =	vsel vm9, v4, v29  }
0x190: {  	v30 =	vld [tilespmem:$0x2DB0];
	[tilespmem:$0x3590] =	vst v4  }
0x191: {  	v4 =	vld.idx.msk [tilespmem:v6+s8+$0x0], $0xffff  }
0x192: {  	v5 =	vld.idx.msk [tilespmem:v5+s2+$0x0], $0xffff;
	_ =	sdelay $0x4  }
0x193: {  	v4 =	vadd.f32 v5, v4;
	v5 =	vshll.u32 v30, $0x1  }
0x194: {  	v6 =	vadd.s32 v3, v5  }
0x195: {  	v5 =	vadd.s32 $0x580, v5;
	v31 =	vmul.f32 $2.000000030e-01, v4  }
0x196: {  	vm10 =	vge.f32 v4, $0.0e+00  }
0x197: {  	v4 =	vsel vm10, v4, v31  }
0x198: {  	v32 =	vld [tilespmem:$0x2E00];
	[tilespmem:$0x35A0] =	vst v4  }
0x199: {  	v4 =	vld.idx.msk [tilespmem:v6+s8+$0x0], $0xffff  }
0x19a: {  	v5 =	vld.idx.msk [tilespmem:v5+s2+$0x0], $0xffff;
	_ =	sdelay $0x4  }
0x19b: {  	v4 =	vadd.f32 v5, v4;
	v5 =	vshll.u32 v32, $0x1  }
0x19c: {  	v6 =	vadd.s32 v0, v5  }
0x19d: {  	v5 =	vadd.s32 $0x600, v5;
	v33 =	vmul.f32 $2.000000030e-01, v4  }
0x19e: {  	vm11 =	vge.f32 v4, $0.0e+00  }
0x19f: {  	v4 =	vsel vm11, v4, v33  }
0x1a0: {  	v34 =	vld [tilespmem:$0x2E10];
	[tilespmem:$0x35B0] =	vst v4  }
0x1a1: {  	v4 =	vld.idx.msk [tilespmem:v6+s8+$0x0], $0xffff  }
0x1a2: {  	v5 =	vld.idx.msk [tilespmem:v5+s2+$0x0], $0xffff;
	_ =	sdelay $0x4  }
0x1a3: {  	v4 =	vadd.f32 v5, v4;
	v5 =	vshll.u32 v34, $0x1  }
0x1a4: {  	v6 =	vadd.s32 v1, v5  }
0x1a5: {  	v5 =	vadd.s32 $0x600, v5;
	v35 =	vmul.f32 $2.000000030e-01, v4  }
0x1a6: {  	vm12 =	vge.f32 v4, $0.0e+00  }
0x1a7: {  	v4 =	vsel vm12, v4, v35  }
0x1a8: {  	v36 =	vld [tilespmem:$0x2E20];
	[tilespmem:$0x3600] =	vst v4  }
0x1a9: {  	v4 =	vld.idx.msk [tilespmem:v6+s8+$0x0], $0xffff  }
0x1aa: {  	v5 =	vld.idx.msk [tilespmem:v5+s2+$0x0], $0xffff;
	_ =	sdelay $0x4  }
0x1ab: {  	v4 =	vadd.f32 v5, v4;
	v5 =	vshll.u32 v36, $0x1  }
0x1ac: {  	v6 =	vadd.s32 v2, v5  }
0x1ad: {  	v5 =	vadd.s32 $0x600, v5;
	v37 =	vmul.f32 $2.000000030e-01, v4  }
0x1ae: {  	vm13 =	vge.f32 v4, $0.0e+00  }
0x1af: {  	v4 =	vsel vm13, v4, v37  }
0x1b0: {  	v38 =	vld [tilespmem:$0x2E30];
	[tilespmem:$0x3610] =	vst v4  }
0x1b1: {  	v4 =	vld.idx.msk [tilespmem:v6+s8+$0x0], $0xffff  }
0x1b2: {  	v5 =	vld.idx.msk [tilespmem:v5+s2+$0x0], $0xffff;
	_ =	sdelay $0x4  }
0x1b3: {  	v4 =	vadd.f32 v5, v4;
	v5 =	vshll.u32 v38, $0x1  }
0x1b4: {  	v6 =	vadd.s32 v3, v5  }
0x1b5: {  	v5 =	vadd.s32 $0x600, v5;
	v39 =	vmul.f32 $2.000000030e-01, v4  }
0x1b6: {  	vm14 =	vge.f32 v4, $0.0e+00  }
0x1b7: {  	v4 =	vsel vm14, v4, v39  }
0x1b8: {  	v40 =	vld [tilespmem:$0x2E80];
	[tilespmem:$0x3620] =	vst v4  }
0x1b9: {  	v4 =	vld.idx.msk [tilespmem:v6+s8+$0x0], $0xffff  }
0x1ba: {  	v5 =	vld.idx.msk [tilespmem:v5+s2+$0x0], $0xffff;
	_ =	sdelay $0x4  }
0x1bb: {  	v4 =	vadd.f32 v5, v4;
	v5 =	vshll.u32 v40, $0x1  }
0x1bc: {  	v6 =	vadd.s32 v0, v5  }
0x1bd: {  	v5 =	vadd.s32 $0x680, v5;
	v41 =	vmul.f32 $2.000000030e-01, v4  }
0x1be: {  	vm15 =	vge.f32 v4, $0.0e+00  }
0x1bf: {  	v4 =	vsel vm15, v4, v41  }
0x1c0: {  	v42 =	vld [tilespmem:$0x2E90];
	[tilespmem:$0x3630] =	vst v4  }
0x1c1: {  	v4 =	vld.idx.msk [tilespmem:v6+s8+$0x0], $0xffff  }
0x1c2: {  	v5 =	vld.idx.msk [tilespmem:v5+s2+$0x0], $0xffff;
	_ =	sdelay $0x4  }
0x1c3: {  	v4 =	vadd.f32 v5, v4;
	v5 =	vshll.u32 v42, $0x1  }
0x1c4: {  	v6 =	vadd.s32 v1, v5  }
0x1c5: {  	v5 =	vadd.s32 $0x680, v5;
	v43 =	vmul.f32 $2.000000030e-01, v4  }
0x1c6: {  	vm4 =	vge.f32 v4, $0.0e+00  }
0x1c7: {  	v4 =	vsel vm4, v4, v43  }
0x1c8: {  	v44 =	vld [tilespmem:$0x2EA0];
	[tilespmem:$0x3680] =	vst v4  }
0x1c9: {  	v4 =	vld.idx.msk [tilespmem:v6+s8+$0x0], $0xffff  }
0x1ca: {  	v5 =	vld.idx.msk [tilespmem:v5+s2+$0x0], $0xffff;
	_ =	sdelay $0x4  }
0x1cb: {  	v4 =	vadd.f32 v5, v4;
	v5 =	vshll.u32 v44, $0x1  }
0x1cc: {  	v6 =	vadd.s32 v2, v5  }
0x1cd: {  	v5 =	vadd.s32 $0x680, v5;
	v45 =	vmul.f32 $2.000000030e-01, v4  }
0x1ce: {  	vm5 =	vge.f32 v4, $0.0e+00  }
0x1cf: {  	v4 =	vsel vm5, v4, v45  }
0x1d0: {  	v46 =	vld [tilespmem:$0x2EB0];
	[tilespmem:$0x3690] =	vst v4  }
0x1d1: {  	v4 =	vld.idx.msk [tilespmem:v6+s8+$0x0], $0xffff  }
0x1d2: {  	v5 =	vld.idx.msk [tilespmem:v5+s2+$0x0], $0xffff;
	_ =	sdelay $0x4  }
0x1d3: {  	v4 =	vadd.f32 v5, v4;
	v5 =	vshll.u32 v46, $0x1  }
0x1d4: {  	v6 =	vadd.s32 v3, v5  }
0x1d5: {  	v5 =	vadd.s32 $0x680, v5;
	v47 =	vmul.f32 $2.000000030e-01, v4  }
0x1d6: {  	vm6 =	vge.f32 v4, $0.0e+00  }
0x1d7: {  	v4 =	vsel vm6, v4, v47  }
0x1d8: {  	v48 =	vld [tilespmem:$0x2F00];
	[tilespmem:$0x36A0] =	vst v4  }
0x1d9: {  	v4 =	vld.idx.msk [tilespmem:v6+s8+$0x0], $0xffff  }
0x1da: {  	v5 =	vld.idx.msk [tilespmem:v5+s2+$0x0], $0xffff;
	_ =	sdelay $0x4  }
0x1db: {  	v4 =	vadd.f32 v5, v4;
	v5 =	vshll.u32 v48, $0x1  }
0x1dc: {  	v6 =	vadd.s32 v0, v5  }
0x1dd: {  	v5 =	vadd.s32 $0x700, v5;
	v49 =	vmul.f32 $2.000000030e-01, v4  }
0x1de: {  	vm7 =	vge.f32 v4, $0.0e+00  }
0x1df: {  	v4 =	vsel vm7, v4, v49  }
0x1e0: {  	v50 =	vld [tilespmem:$0x2F10];
	[tilespmem:$0x36B0] =	vst v4  }
0x1e1: {  	v4 =	vld.idx.msk [tilespmem:v6+s8+$0x0], $0xffff  }
0x1e2: {  	v5 =	vld.idx.msk [tilespmem:v5+s2+$0x0], $0xffff;
	_ =	sdelay $0x4  }
0x1e3: {  	v4 =	vadd.f32 v5, v4;
	v5 =	vshll.u32 v50, $0x1  }
0x1e4: {  	v6 =	vadd.s32 v1, v5  }
0x1e5: {  	v5 =	vadd.s32 $0x700, v5;
	v51 =	vmul.f32 $2.000000030e-01, v4  }
0x1e6: {  	vm8 =	vge.f32 v4, $0.0e+00  }
0x1e7: {  	v4 =	vsel vm8, v4, v51  }
0x1e8: {  	v52 =	vld [tilespmem:$0x2F20];
	[tilespmem:$0x3700] =	vst v4  }
0x1e9: {  	v4 =	vld.idx.msk [tilespmem:v6+s8+$0x0], $0xffff  }
0x1ea: {  	v5 =	vld.idx.msk [tilespmem:v5+s2+$0x0], $0xffff;
	_ =	sdelay $0x4  }
0x1eb: {  	v4 =	vadd.f32 v5, v4;
	v5 =	vshll.u32 v52, $0x1  }
0x1ec: {  	v6 =	vadd.s32 v2, v5  }
0x1ed: {  	v5 =	vadd.s32 $0x700, v5;
	v53 =	vmul.f32 $2.000000030e-01, v4  }
0x1ee: {  	vm9 =	vge.f32 v4, $0.0e+00  }
0x1ef: {  	v4 =	vsel vm9, v4, v53  }
0x1f0: {  	v54 =	vld [tilespmem:$0x2F30];
	[tilespmem:$0x3710] =	vst v4  }
0x1f1: {  	v4 =	vld.idx.msk [tilespmem:v6+s8+$0x0], $0xffff  }
0x1f2: {  	v5 =	vld.idx.msk [tilespmem:v5+s2+$0x0], $0xffff;
	_ =	sdelay $0x4  }
0x1f3: {  	v4 =	vadd.f32 v5, v4;
	v5 =	vshll.u32 v54, $0x1  }
0x1f4: {  	v6 =	vadd.s32 v3, v5  }
0x1f5: {  	v5 =	vadd.s32 $0x700, v5;
	v55 =	vmul.f32 $2.000000030e-01, v4  }
0x1f6: {  	vm10 =	vge.f32 v4, $0.0e+00  }
0x1f7: {  	v4 =	vsel vm10, v4, v55  }
0x1f8: {  	v56 =	vld [tilespmem:$0x2F80];
	[tilespmem:$0x3720] =	vst v4  }
0x1f9: {  	v4 =	vld.idx.msk [tilespmem:v6+s8+$0x0], $0xffff  }
0x1fa: {  	v5 =	vld.idx.msk [tilespmem:v5+s2+$0x0], $0xffff;
	_ =	sdelay $0x4  }
0x1fb: {  	v4 =	vadd.f32 v5, v4;
	v5 =	vshll.u32 v56, $0x1  }
0x1fc: {  	v6 =	vadd.s32 v0, v5  }
0x1fd: {  	v5 =	vadd.s32 $0x780, v5;
	v57 =	vmul.f32 $2.000000030e-01, v4  }
0x1fe: {  	vm11 =	vge.f32 v4, $0.0e+00  }
0x1ff: {  	v4 =	vsel vm11, v4, v57  }
0x200: {  	v58 =	vld [tilespmem:$0x2F90];
	[tilespmem:$0x3730] =	vst v4  }
0x201: {  	v4 =	vld.idx.msk [tilespmem:v6+s8+$0x0], $0xffff  }
0x202: {  	v5 =	vld.idx.msk [tilespmem:v5+s2+$0x0], $0xffff;
	_ =	sdelay $0x4  }
0x203: {  	v4 =	vadd.f32 v5, v4;
	v5 =	vshll.u32 v58, $0x1  }
0x204: {  	v6 =	vadd.s32 v1, v5  }
0x205: {  	v5 =	vadd.s32 $0x780, v5;
	v59 =	vmul.f32 $2.000000030e-01, v4  }
0x206: {  	vm12 =	vge.f32 v4, $0.0e+00  }
0x207: {  	v4 =	vsel vm12, v4, v59  }
0x208: {  	v60 =	vld [tilespmem:$0x2FA0];
	[tilespmem:$0x3780] =	vst v4  }
0x209: {  	v4 =	vld.idx.msk [tilespmem:v6+s8+$0x0], $0xffff  }
0x20a: {  	v5 =	vld.idx.msk [tilespmem:v5+s2+$0x0], $0xffff;
	_ =	sdelay $0x4  }
0x20b: {  	v4 =	vadd.f32 v5, v4;
	v5 =	vshll.u32 v60, $0x1  }
0x20c: {  	v6 =	vadd.s32 v2, v5  }
0x20d: {  	v5 =	vadd.s32 $0x780, v5;
	v61 =	vmul.f32 $2.000000030e-01, v4  }
0x20e: {  	vm13 =	vge.f32 v4, $0.0e+00  }
0x20f: {  	v4 =	vsel vm13, v4, v61  }
0x210: {  	v62 =	vld [tilespmem:$0x2FB0];
	[tilespmem:$0x3790] =	vst v4  }
0x211: {  	v4 =	vld.idx.msk [tilespmem:v6+s8+$0x0], $0xffff  }
0x212: {  	v5 =	vld.idx.msk [tilespmem:v5+s2+$0x0], $0xffff;
	_ =	sdelay $0x4  }
0x213: {  	v4 =	vadd.f32 v5, v4;
	v5 =	vshll.u32 v62, $0x1  }
0x214: {  	v6 =	vadd.s32 v3, v5  }
0x215: {  	v5 =	vadd.s32 $0x780, v5;
	v63 =	vmul.f32 $2.000000030e-01, v4  }
0x216: {  	vm14 =	vge.f32 v4, $0.0e+00  }
0x217: {  	v4 =	vsel vm14, v4, v63  }
0x218: {  	[tilespmem:$0x37A0] =	vst v4  }
0x219: {  	v4 =	vld.idx.msk [tilespmem:v6+s8+$0x0], $0xffff  }
0x21a: {  	v5 =	vld.idx.msk [tilespmem:v5+s2+$0x0], $0xffff;
	_ =	sdelay $0x4  }
0x21b: {  	v4 =	vadd.f32 v5, v4;
	_ =	sdelay $0x1  }
0x21c: {  	v5 =	vmul.f32 $2.000000030e-01, v4  }
0x21d: {  	vm15 =	vge.f32 v4, $0.0e+00  }
0x21e: {  	p0 =	sne.s32 s7, $0x1;
	v4 =	vsel vm15, v4, v5  }
.Ltmp0:
0x21f: {  	[tilespmem:$0x37B0] =	vst v4;
	(pc) =	sbr.rel @p0 .LBB2_1-.Ltmp0, $4  }
0x220: {  	[hbm4b:s6+s2] =	stream.linear.scatter [tilespmem:s13], [sflag:$0x4], $0x800, $0x38;
	[tilespmem:$0x3800] =	vst v63  }
0x221: {  	_ =	swait.ge [sflag:s14], $0x800  }
0x222: {  	[sflag:s14] =	ssyncset.done $0x0  }
0x223: {  	s7 =	sadd.s32 $0xFFFFFFFF, s7;
	[sflag:s14] =	ssyncadd.s32 $0xFFFFF800  }
0x224: {  	_ =	sfence.sel $0x180000  }
0x225: {  	[bflag:$0x0] =	sbarrier.arrive $0xFFFF  }
0x226: {  	p0 =	sne.s32 s1, $0x0;
	_ =	strace $0x90000047  }
0x227: {  	s0 =	sadd.s32 @!p0 $0x100000, s0;
	[bflag:$0x2] =	sbarrier.arrive $0xFFFF  }
0x228: {  	[sflag:s0] =	ssyncadd.tile.s32 @!p0 $0x1;
	_ =	shalt  }
.Lfunc_end2:
_tile_overlayer_lowered:
.L_overlay_start_2:
0x229: {  	(tag) =	ssettag $0x2  }
0x22a: {  	s0 =	rddreg [dreg:$0x0];
	s2 =	stileid.u32  }
0x22b: {  	s1 =	rddreg [dreg:$0x1];
	p0 =	sne.s32 s2, $0x0  }
0x22c: {  	s3 =	rddreg [dreg:$0x2];
	[bflag:$0x3] =	sbarrier.arrive $0xFFFF;
	s2 =	simm.s32 @!p0 $0x1C04  }
0x22d: {  	[timem:s3], [sflag:s2] =	dma.local @!p0 [hbm:s0], s1  }
0x22e: {  	s0 =	simm.s32 @!p0 $0x4  }
0x22f: {  	_ =	swait.ge @!p0 [sflag:s0], s1  }
0x230: {  	s1 =	ssub.s32 @!p0 $0x0, s1;
	[sflag:s0] =	ssyncset.done @!p0 $0x0  }
0x231: {  	[sflag:s0] =	ssyncadd.s32 @!p0 s1  }
0x232: {  	[bflag:$0x3] =	sbarrier.arrive $0xFFFF  }
0x233: {  	_ =	shalt  }

</sc_bundles>
